<compile_context>
chip_gen: v7x
topology: tpu7x:2x2x1
jax: 0.10.2.dev20260603
libtpu: 0.0.44.dev20260713+nightly
codegen_flags: <defaults>
</compile_context>

<pallas_src>
import functools

import numpy as np
import jax
import jax.numpy as jnp
from jax import lax
from jax.experimental import pallas as pl
from jax.experimental.pallas import tpu as pltpu
from jax.experimental.pallas import tpu_sc as plsc

_K = 24
_RT = 128
_TW = 128



def _knn_body(xp_ref, xt_ref, idx_ref):
    b = pl.program_id(0)
    x = xp_ref[0]
    xt = xt_ref[0]
    n = xt.shape[1]
    s = jnp.sum(x * x, axis=1, keepdims=True)
    st = jnp.sum(xt * xt, axis=0, keepdims=True)
    d = s + st - 2.0 * jnp.dot(x, xt, preferred_element_type=jnp.float32)
    lane = lax.broadcasted_iota(jnp.int32, d.shape, 1)
    cols = []
    for _ in range(_K):
        m = jnp.min(d, axis=1, keepdims=True)
        cand = jnp.where(d == m, lane, n)
        a = jnp.min(cand, axis=1, keepdims=True)
        cols.append(a)
        d = jnp.where(lane == a, jnp.float32(np.inf), d)
    idx_ref[0] = jnp.concatenate(cols, axis=1) + b * n


def _knn(xyz8, xyzT):
    B, N, _ = xyz8.shape
    grid = (B, N // _RT)
    return pl.pallas_call(
        _knn_body,
        grid=grid,
        in_specs=[
            pl.BlockSpec((1, _RT, 8), lambda b, r: (b, r, 0)),
            pl.BlockSpec((1, 8, N), lambda b, r: (b, 0, 0)),
        ],
        out_specs=pl.BlockSpec((1, _RT, _K), lambda b, r: (b, r, 0)),
        out_shape=jax.ShapeDtypeStruct((B, N, _K), jnp.int32),
    )(xyz8, xyzT)



def _gather_rows(table, idx):
    V, D = table.shape
    M = idx.shape[0]
    bw = M // 32
    ch = 768
    nsteps = bw // ch
    mesh = plsc.VectorSubcoreMesh(core_axis_name="c", subcore_axis_name="s")

    @functools.partial(
        pl.kernel, mesh=mesh,
        out_type=jax.ShapeDtypeStruct((M, D), jnp.float32),
        scratch_types=[
            pltpu.VMEM((ch,), jnp.int32),
            pltpu.VMEM((ch, D), jnp.float32),
            pltpu.SemaphoreType.DMA,
        ],
    )
    def gk(table_hbm, idx_hbm, out_hbm, idx_v, rows_v, sem):
        wid = lax.axis_index("s") * 2 + lax.axis_index("c")
        base = wid * bw

        def step(i, c):
            off = base + i * ch
            pltpu.sync_copy(idx_hbm.at[pl.ds(off, ch)], idx_v)
            pltpu.async_copy(table_hbm.at[idx_v], rows_v, sem).wait()
            pltpu.sync_copy(rows_v, out_hbm.at[pl.ds(off, ch)])
            return c

        lax.fori_loop(0, nsteps, step, 0)

    return gk(table, idx)



def _layer_body(tab_ref, g_ref, wq_ref, wk_ref, wv_ref, pw_ref,
                bq_ref, bk_ref, bv_ref, pb_ref,
                out_ref, sum_ref, ssq_ref, *, nb, d_out):
    f32 = jnp.float32
    feats = tab_ref[0]
    g = g_ref[0]
    q = jnp.dot(feats, wq_ref[...], preferred_element_type=f32) + bq_ref[...]
    ps = jnp.dot(feats, pw_ref[...], preferred_element_type=f32) + pb_ref[...]
    kk = jnp.dot(g, wk_ref[...], preferred_element_type=f32) + bk_ref[...]
    vv = jnp.dot(g, wv_ref[...], preferred_element_type=f32) + bv_ref[...]
    pn = jnp.dot(g, pw_ref[...], preferred_element_type=f32)
    k3 = kk.reshape(nb, _K, d_out)
    v3 = vv.reshape(nb, _K, d_out)
    p3 = ps[:, None, :] - pn.reshape(nb, _K, d_out)
    logits = (q[:, None, :] - k3 + p3) * f32(1.0 / np.sqrt(d_out))
    m = jnp.max(logits, axis=1, keepdims=True)
    e = jnp.exp(logits - m)
    den = jnp.sum(e, axis=1)
    o = jnp.sum(e * (v3 + p3), axis=1) / den
    out_ref[0] = o

    @pl.when((pl.program_id(0) == 0) & (pl.program_id(1) == 0))
    def _init():
        sum_ref[...] = jnp.zeros_like(sum_ref)
        ssq_ref[...] = jnp.zeros_like(ssq_ref)

    sum_ref[...] += jnp.sum(o, axis=0, keepdims=True)
    ssq_ref[...] += jnp.sum(o * o, axis=0, keepdims=True)


def _layer(tab, g, Wq, Wk, Wv, PW, bq, bk, bv, pb, d_out, nb):
    B, N, _ = tab.shape
    g3 = g.reshape(B, N * _K, _TW)
    grid = (B, N // nb)
    body = functools.partial(_layer_body, nb=nb, d_out=d_out)
    wspec = lambda shape: pl.BlockSpec(shape, lambda b, r: (0, 0))
    out, ssum, ssq = pl.pallas_call(
        body,
        grid=grid,
        in_specs=[
            pl.BlockSpec((1, nb, _TW), lambda b, r: (b, r, 0)),
            pl.BlockSpec((1, nb * _K, _TW), lambda b, r: (b, r, 0)),
            wspec((_TW, d_out)), wspec((_TW, d_out)), wspec((_TW, d_out)),
            wspec((_TW, d_out)),
            wspec((1, d_out)), wspec((1, d_out)), wspec((1, d_out)),
            wspec((1, d_out)),
        ],
        out_specs=[
            pl.BlockSpec((1, nb, d_out), lambda b, r: (b, r, 0)),
            pl.BlockSpec((1, d_out), lambda b, r: (0, 0)),
            pl.BlockSpec((1, d_out), lambda b, r: (0, 0)),
        ],
        out_shape=[
            jax.ShapeDtypeStruct((B, N, d_out), jnp.float32),
            jax.ShapeDtypeStruct((1, d_out), jnp.float32),
            jax.ShapeDtypeStruct((1, d_out), jnp.float32),
        ],
    )(tab, g3, Wq, Wk, Wv, PW, bq, bk, bv, pb)
    return out, ssum[0], ssq[0]



def _final_body(o4_ref, o2_ref, wr_ref, s4_ref, c_ref, out_ref):
    o4 = o4_ref[0]
    o2 = o2_ref[0]
    out_ref[0] = (o4 * s4_ref[...] +
                  jnp.dot(o2, wr_ref[...], preferred_element_type=jnp.float32)
                  + c_ref[...])


def _final(o4, o2, Wr, s4, c):
    B, N, F = o4.shape
    D2 = o2.shape[2]
    return pl.pallas_call(
        _final_body,
        grid=(B,),
        in_specs=[
            pl.BlockSpec((1, N, F), lambda b: (b, 0, 0)),
            pl.BlockSpec((1, N, D2), lambda b: (b, 0, 0)),
            pl.BlockSpec((D2, F), lambda b: (0, 0)),
            pl.BlockSpec((1, F), lambda b: (0, 0)),
            pl.BlockSpec((1, F), lambda b: (0, 0)),
        ],
        out_specs=pl.BlockSpec((1, N, F), lambda b: (b, 0, 0)),
        out_shape=jax.ShapeDtypeStruct((B, N, F), jnp.float32),
    )(o4, o2, Wr, s4, c)



def _fold_weights(p, sv, tv, xyz_off):
    f1w, f1b = p['fc1_w'], p['fc1_b']
    d_prev = f1w.shape[0]
    sw = sv[:, None] * f1w
    base_b = tv @ f1w + f1b

    def mk(wname, bname):
        W = sw @ p[wname]
        Wp = jnp.zeros((_TW, W.shape[1]), jnp.float32).at[:d_prev].set(W)
        bvec = base_b @ p[wname] + p[bname]
        return Wp, bvec[None, :]

    Wq, bq = mk('wq_w', 'wq_b')
    Wk, bk = mk('wk_w', 'wk_b')
    Wv, bv = mk('wv_w', 'wv_b')
    PW = jnp.zeros((_TW, p['pos_w'].shape[1]),
                   jnp.float32).at[xyz_off:xyz_off + 3].set(p['pos_w'])
    pb = p['pos_b'][None, :]
    return Wq, Wk, Wv, PW, bq, bk, bv, pb


def kernel(xyz, params):
    B, N, _ = xyz.shape
    f32 = jnp.float32
    xyz8 = jnp.pad(xyz, ((0, 0), (0, 0), (0, 5)))
    xyzT = jnp.swapaxes(xyz8, 1, 2)
    idx = _knn(xyz8, xyzT)
    flat_idx = idx.reshape(B * N * _K)

    douts = [8, 16, 32, 128]
    nbs = [128, 128, 128, 128]
    tab = jnp.pad(xyz, ((0, 0), (0, 0), (0, _TW - 3)))
    sv = jnp.ones((3,), f32)
    tv = jnp.zeros((3,), f32)
    xyz_off = 0
    o2_keep = s2 = t2 = None
    o4 = s4 = t4 = None
    for i in range(4):
        p = params['tl%d' % (i + 1)]
        Wq, Wk, Wv, PW, bq, bk, bv, pb = _fold_weights(p, sv, tv, xyz_off)
        g = _gather_rows(tab.reshape(B * N, _TW), flat_idx)
        o, ssum, ssq = _layer(tab, g, Wq, Wk, Wv, PW, bq, bk, bv, pb,
                              douts[i], nbs[i])
        mean = ssum / (B * N)
        var = ssq / (B * N) - mean * mean
        sv = params['bn%d_g' % (i + 1)] / jnp.sqrt(var + 1e-5)
        tv = params['bn%d_b' % (i + 1)] - mean * sv
        if i == 1:
            o2_keep, s2, t2 = o, sv, tv
        if i < 3:
            d = douts[i]
            tab = jnp.concatenate(
                [o, xyz, jnp.zeros((B, N, _TW - d - 3), f32)], axis=2)
            xyz_off = d
        else:
            o4, s4, t4 = o, sv, tv

    Wr = s2[:, None] * params['res_w']
    c = t4 + t2 @ params['res_w'] + params['res_b']
    f4 = _final(o4, o2_keep, Wr, s4[None, :], c[None, :])
    return (f4, f4, f4)

# --- scband reference (transcript-rebuilt; emitter-appended) ---
"""Pipeline reference for scband-encoder-3350074491391 (READ-ONLY COPY).

The authoritative reference and input builder live on the scoring server;
editing this copy changes nothing except your own understanding.
"""

import jax, jax.numpy as jnp
import numpy as np

EF = 128
B, N, K = 8, 2048, 24

def _index_points(points, idx):
    b = jnp.arange(points.shape[0])[:, None, None]
    return points[b, idx]

def _square_distance(src, dst):
    d = -2.0 * jnp.einsum('bnc,bmc->bnm', src, dst)
    d = d + jnp.sum(src ** 2, axis=-1)[:, :, None]
    d = d + jnp.sum(dst ** 2, axis=-1)[:, None, :]
    return d

def _make_tl(key, d_in, d_out):
    ks = jax.random.split(key, 5)
    def lin(k, fi, fo):
        return jax.random.normal(k, (fi, fo), dtype=jnp.float32) / np.sqrt(fi)
    return {
        'fc1_w': lin(ks[0], d_in, d_out), 'fc1_b': jnp.zeros((d_out,), jnp.float32),
        'wq_w': lin(ks[1], d_out, d_out), 'wq_b': jnp.zeros((d_out,), jnp.float32),
        'wk_w': lin(ks[2], d_out, d_out), 'wk_b': jnp.zeros((d_out,), jnp.float32),
        'wv_w': lin(ks[3], d_out, d_out), 'wv_b': jnp.zeros((d_out,), jnp.float32),
        'pos_w': lin(ks[4], 3, d_out), 'pos_b': jnp.zeros((d_out,), jnp.float32),
    }

def _tl(p, feats, xyz, knn_idx, knn_xyz):
    x = feats @ p['fc1_w'] + p['fc1_b']
    q = x @ p['wq_w'] + p['wq_b']
    k = _index_points(x @ p['wk_w'] + p['wk_b'], knn_idx)
    v = _index_points(x @ p['wv_w'] + p['wv_b'], knn_idx)
    pos = (xyz[:, :, None, :] - knn_xyz) @ p['pos_w'] + p['pos_b']
    attn = jax.nn.softmax((q[:, :, None, :] - k + pos) / np.sqrt(x.shape[-1]), axis=2)
    out = jnp.sum(attn * (v + pos), axis=2)
    return out, attn

def _bn(x, g, b):
    m = jnp.mean(x, axis=(0, 1), keepdims=True)
    v = jnp.var(x, axis=(0, 1), keepdims=True)
    return g * (x - m) / jnp.sqrt(v + 1e-5) + b

def setup_inputs(seed: int = 0):
    key = jax.random.key(seed)
    ks = jax.random.split(key, 8)
    xyz = jax.random.normal(ks[0], (B, N, 3), dtype=jnp.float32)
    dims = [(3, EF // 16), (EF // 16, EF // 8), (EF // 8, EF // 4), (EF // 4, EF)]
    params = {}
    for i, (di, do) in enumerate(dims):
        params['tl%d' % (i + 1)] = _make_tl(ks[i + 1], di, do)
        params['bn%d_g' % (i + 1)] = jnp.ones((do,), jnp.float32)
        params['bn%d_b' % (i + 1)] = jnp.zeros((do,), jnp.float32)
    params['res_w'] = jax.random.normal(ks[5], (EF // 8, EF), dtype=jnp.float32) / np.sqrt(EF // 8)
    params['res_b'] = jnp.zeros((EF,), jnp.float32)
    return {'xyz': xyz, 'params': params}

def reference(xyz, params):
    dists = _square_distance(xyz, xyz)
    knn_idx = jnp.argsort(dists, axis=-1)[:, :, :K]
    knn_xyz = _index_points(xyz, knn_idx)
    f1 = _bn(_tl(params['tl1'], xyz, xyz, knn_idx, knn_xyz)[0], params['bn1_g'], params['bn1_b'])
    f2 = _bn(_tl(params['tl2'], f1, xyz, knn_idx, knn_xyz)[0], params['bn2_g'], params['bn2_b'])
    f3 = _bn(_tl(params['tl3'], f2, xyz, knn_idx, knn_xyz)[0], params['bn3_g'], params['bn3_b'])
    f4 = _bn(_tl(params['tl4'], f3, xyz, knn_idx, knn_xyz)[0], params['bn4_g'], params['bn4_b'])
    f4 = f4 + f2 @ params['res_w'] + params['res_b']
    return (f4, f4, f4)

if __name__ == "__main__":
    import jax
    _d = setup_inputs()
    print(jax.jit(kernel)(*tuple(_d.values())))

</pallas_src>

<mosaic_0001>
#map = affine_map<(d0, d1) -> (0, 0)>
#map1 = affine_map<(d0, d1) -> (0)>
module attributes {stable_mosaic.version = 14 : i64} {
  func.func @gk(%arg0: i32, %arg1: i32, %arg2: memref<16384x128xf32, #tpu.memory_space<hbm>>, %arg3: memref<393216xi32, #tpu.memory_space<hbm>>, %arg4: memref<393216x128xf32, #tpu.memory_space<hbm>>, %arg5: memref<768xi32, #tpu.memory_space<vmem>>, %arg6: memref<768x128xf32, #tpu.memory_space<vmem>>, %arg7: memref<!tpu.dma_semaphore, #tpu.memory_space<semaphore_mem>>) attributes {dimension_semantics = [#tpu.dimension_semantics<core_parallel>, #tpu.dimension_semantics<subcore_parallel>], iteration_bounds = array<i64: 2, 16>, scalar_prefetch = 0 : i64, scratch_operands = 3 : i64, tpu.core_type = #tpu.core_type<sc_vector_subcore>, window_params = [{transform_indices = #map}, {transform_indices = #map1}, {transform_indices = #map}]} {
    %mul3A = arith.constant 2 : i32
    %mul3A_0 = arith.muli %arg1, %mul3A : i32
    %add3A = arith.addi %mul3A_0, %arg0 : i32
    %mul3A_1 = arith.constant 12288 : i32
    %mul3A_2 = arith.muli %add3A, %mul3A_1 : i32
    %scan3A = arith.constant 0 : i32
    %scan3A_3 = arith.constant 0 : i32
    %scan3A_4 = arith.constant 16 : i32
    %scan3A_5 = arith.addi %scan3A_3, %scan3A_4 : i32
    %scan3A_6 = arith.constant 1 : i32
    scf.for %scan3A_8 = %scan3A_3 to %scan3A_5 step %scan3A_6  : i32 {
      %mul3A_9 = arith.constant 768 : i32
      %mul3A_10 = arith.muli %scan3A_8, %mul3A_9 : i32
      %add3A_11 = arith.addi %mul3A_2, %mul3A_10 : i32
      "tpu.region"() ({
        %run_scoped3A = tpu.sem_alloc : memref<!tpu.dma_semaphore, #tpu.memory_space<semaphore_mem>>
        %dma_start3A_16 = tpu.memref_slice %arg3[%add3A_11] : memref<393216xi32, #tpu.memory_space<hbm>> -> memref<768xi32, #tpu.memory_space<hbm>>
        %dma_start3A_17 = tpu.memref_slice %arg3[%add3A_11] : memref<393216xi32, #tpu.memory_space<hbm>> -> memref<768xi32, #tpu.memory_space<hbm>>
        tpu.enqueue_dma source(%dma_start3A_17 : memref<768xi32, #tpu.memory_space<hbm>>) target(%arg5 : memref<768xi32, #tpu.memory_space<vmem>>) target_semaphore(%run_scoped3A : memref<!tpu.dma_semaphore, #tpu.memory_space<semaphore_mem>>)
        %dma_wait3A_18 = tpu.memref_slice %arg3[%add3A_11] : memref<393216xi32, #tpu.memory_space<hbm>> -> memref<768xi32, #tpu.memory_space<hbm>>
        %dma_wait3A_19 = tpu.memref_slice %arg3[%add3A_11] : memref<393216xi32, #tpu.memory_space<hbm>> -> memref<768xi32, #tpu.memory_space<hbm>>
        tpu.wait_dma2 semaphore(%run_scoped3A : memref<!tpu.dma_semaphore, #tpu.memory_space<semaphore_mem>>) src(%dma_wait3A_19 : memref<768xi32, #tpu.memory_space<hbm>>) dst(%arg5 : memref<768xi32, #tpu.memory_space<vmem>>)
        tpu.yield
      }) : () -> ()
      %dma_start3A = arith.constant 0 : i32
      %dma_start3A_12 = arith.constant 0 : i32
      %dma_start3A_13 = tpu.memref_slice %arg2[%dma_start3A, %dma_start3A_12] : memref<16384x128xf32, #tpu.memory_space<hbm>> -> memref<16384x128xf32, #tpu.memory_space<hbm>>
      tpu.enqueue_indirect_dma source(%dma_start3A_13 : memref<16384x128xf32, #tpu.memory_space<hbm>>) target(%arg6 : memref<768x128xf32, #tpu.memory_space<vmem>>) offsets(%arg5 : memref<768xi32, #tpu.memory_space<vmem>>) semaphore(%arg7 : memref<!tpu.dma_semaphore, #tpu.memory_space<semaphore_mem>>)
      %dma_wait3A = arith.constant 0 : i32
      %dma_wait3A_14 = arith.constant 0 : i32
      %dma_wait3A_15 = tpu.memref_slice %arg2[%dma_wait3A, %dma_wait3A_14] : memref<16384x128xf32, #tpu.memory_space<hbm>> -> memref<16384x128xf32, #tpu.memory_space<hbm>>
      tpu.wait_indirect_dma semaphore(%arg7 : memref<!tpu.dma_semaphore, #tpu.memory_space<semaphore_mem>>) src(%dma_wait3A_15 : memref<16384x128xf32, #tpu.memory_space<hbm>>) dst(%arg6 : memref<768x128xf32, #tpu.memory_space<vmem>>)
      "tpu.region"() ({
        %run_scoped3A = tpu.sem_alloc : memref<!tpu.dma_semaphore, #tpu.memory_space<semaphore_mem>>
        %dma_start3A_16 = arith.constant 0 : i32
        %dma_start3A_17 = tpu.memref_slice %arg4[%add3A_11, %dma_start3A_16] : memref<393216x128xf32, #tpu.memory_space<hbm>> -> memref<768x128xf32, #tpu.memory_space<hbm>>
        %dma_start3A_18 = arith.constant 0 : i32
        %dma_start3A_19 = tpu.memref_slice %arg4[%add3A_11, %dma_start3A_18] : memref<393216x128xf32, #tpu.memory_space<hbm>> -> memref<768x128xf32, #tpu.memory_space<hbm>>
        tpu.enqueue_dma source(%arg6 : memref<768x128xf32, #tpu.memory_space<vmem>>) target(%dma_start3A_19 : memref<768x128xf32, #tpu.memory_space<hbm>>) target_semaphore(%run_scoped3A : memref<!tpu.dma_semaphore, #tpu.memory_space<semaphore_mem>>)
        %dma_wait3A_20 = arith.constant 0 : i32
        %dma_wait3A_21 = tpu.memref_slice %arg4[%add3A_11, %dma_wait3A_20] : memref<393216x128xf32, #tpu.memory_space<hbm>> -> memref<768x128xf32, #tpu.memory_space<hbm>>
        %dma_wait3A_22 = arith.constant 0 : i32
        %dma_wait3A_23 = tpu.memref_slice %arg4[%add3A_11, %dma_wait3A_22] : memref<393216x128xf32, #tpu.memory_space<hbm>> -> memref<768x128xf32, #tpu.memory_space<hbm>>
        tpu.wait_dma2 semaphore(%run_scoped3A : memref<!tpu.dma_semaphore, #tpu.memory_space<semaphore_mem>>) src(%arg6 : memref<768x128xf32, #tpu.memory_space<vmem>>) dst(%dma_wait3A_23 : memref<768x128xf32, #tpu.memory_space<hbm>>)
        tpu.yield
      }) : () -> ()
    }
    %scan3A_7 = arith.constant 16 : i32
    return
  }
}

#map = affine_map<(d0, d1) -> (0, 0)>
#map1 = affine_map<(d0, d1) -> (0)>
module attributes {stable_mosaic.version = 14 : i64} {
  func.func @gk(%arg0: i32, %arg1: i32, %arg2: memref<16384x128xf32, #tpu.memory_space<hbm>>, %arg3: memref<393216xi32, #tpu.memory_space<hbm>>, %arg4: memref<393216x128xf32, #tpu.memory_space<hbm>>, %arg5: memref<768xi32, #tpu.memory_space<vmem>>, %arg6: memref<768x128xf32, #tpu.memory_space<vmem>>, %arg7: memref<!tpu.dma_semaphore, #tpu.memory_space<semaphore_mem>>) attributes {dimension_semantics = [#tpu.dimension_semantics<core_parallel>, #tpu.dimension_semantics<subcore_parallel>], iteration_bounds = array<i64: 2, 16>, scalar_prefetch = 0 : i64, scratch_operands = 3 : i64, tpu.core_type = #tpu.core_type<sc_vector_subcore>, window_params = [{transform_indices = #map}, {transform_indices = #map1}, {transform_indices = #map}]} {
    %mul3A = arith.constant 2 : i32
    %mul3A_0 = arith.muli %arg1, %mul3A : i32
    %add3A = arith.addi %mul3A_0, %arg0 : i32
    %mul3A_1 = arith.constant 12288 : i32
    %mul3A_2 = arith.muli %add3A, %mul3A_1 : i32
    %scan3A = arith.constant 0 : i32
    %scan3A_3 = arith.constant 0 : i32
    %scan3A_4 = arith.constant 16 : i32
    %scan3A_5 = arith.addi %scan3A_3, %scan3A_4 : i32
    %scan3A_6 = arith.constant 1 : i32
    scf.for %scan3A_8 = %scan3A_3 to %scan3A_5 step %scan3A_6  : i32 {
      %mul3A_9 = arith.constant 768 : i32
      %mul3A_10 = arith.muli %scan3A_8, %mul3A_9 : i32
      %add3A_11 = arith.addi %mul3A_2, %mul3A_10 : i32
      "tpu.region"() ({
        %run_scoped3A = tpu.sem_alloc : memref<!tpu.dma_semaphore, #tpu.memory_space<semaphore_mem>>
        %dma_start3A_16 = tpu.memref_slice %arg3[%add3A_11] : memref<393216xi32, #tpu.memory_space<hbm>> -> memref<768xi32, #tpu.memory_space<hbm>>
        %dma_start3A_17 = tpu.memref_slice %arg3[%add3A_11] : memref<393216xi32, #tpu.memory_space<hbm>> -> memref<768xi32, #tpu.memory_space<hbm>>
        tpu.enqueue_dma source(%dma_start3A_17 : memref<768xi32, #tpu.memory_space<hbm>>) target(%arg5 : memref<768xi32, #tpu.memory_space<vmem>>) target_semaphore(%run_scoped3A : memref<!tpu.dma_semaphore, #tpu.memory_space<semaphore_mem>>)
        %dma_wait3A_18 = tpu.memref_slice %arg3[%add3A_11] : memref<393216xi32, #tpu.memory_space<hbm>> -> memref<768xi32, #tpu.memory_space<hbm>>
        %dma_wait3A_19 = tpu.memref_slice %arg3[%add3A_11] : memref<393216xi32, #tpu.memory_space<hbm>> -> memref<768xi32, #tpu.memory_space<hbm>>
        tpu.wait_dma2 semaphore(%run_scoped3A : memref<!tpu.dma_semaphore, #tpu.memory_space<semaphore_mem>>) src(%dma_wait3A_19 : memref<768xi32, #tpu.memory_space<hbm>>) dst(%arg5 : memref<768xi32, #tpu.memory_space<vmem>>)
        tpu.yield
      }) : () -> ()
      %dma_start3A = arith.constant 0 : i32
      %dma_start3A_12 = arith.constant 0 : i32
      %dma_start3A_13 = tpu.memref_slice %arg2[%dma_start3A, %dma_start3A_12] : memref<16384x128xf32, #tpu.memory_space<hbm>> -> memref<16384x128xf32, #tpu.memory_space<hbm>>
      tpu.enqueue_indirect_dma source(%dma_start3A_13 : memref<16384x128xf32, #tpu.memory_space<hbm>>) target(%arg6 : memref<768x128xf32, #tpu.memory_space<vmem>>) offsets(%arg5 : memref<768xi32, #tpu.memory_space<vmem>>) semaphore(%arg7 : memref<!tpu.dma_semaphore, #tpu.memory_space<semaphore_mem>>)
      %dma_wait3A = arith.constant 0 : i32
      %dma_wait3A_14 = arith.constant 0 : i32
      %dma_wait3A_15 = tpu.memref_slice %arg2[%dma_wait3A, %dma_wait3A_14] : memref<16384x128xf32, #tpu.memory_space<hbm>> -> memref<16384x128xf32, #tpu.memory_space<hbm>>
      tpu.wait_indirect_dma semaphore(%arg7 : memref<!tpu.dma_semaphore, #tpu.memory_space<semaphore_mem>>) src(%dma_wait3A_15 : memref<16384x128xf32, #tpu.memory_space<hbm>>) dst(%arg6 : memref<768x128xf32, #tpu.memory_space<vmem>>)
      "tpu.region"() ({
        %run_scoped3A = tpu.sem_alloc : memref<!tpu.dma_semaphore, #tpu.memory_space<semaphore_mem>>
        %dma_start3A_16 = arith.constant 0 : i32
        %dma_start3A_17 = tpu.memref_slice %arg4[%add3A_11, %dma_start3A_16] : memref<393216x128xf32, #tpu.memory_space<hbm>> -> memref<768x128xf32, #tpu.memory_space<hbm>>
        %dma_start3A_18 = arith.constant 0 : i32
        %dma_start3A_19 = tpu.memref_slice %arg4[%add3A_11, %dma_start3A_18] : memref<393216x128xf32, #tpu.memory_space<hbm>> -> memref<768x128xf32, #tpu.memory_space<hbm>>
        tpu.enqueue_dma source(%arg6 : memref<768x128xf32, #tpu.memory_space<vmem>>) target(%dma_start3A_19 : memref<768x128xf32, #tpu.memory_space<hbm>>) target_semaphore(%run_scoped3A : memref<!tpu.dma_semaphore, #tpu.memory_space<semaphore_mem>>)
        %dma_wait3A_20 = arith.constant 0 : i32
        %dma_wait3A_21 = tpu.memref_slice %arg4[%add3A_11, %dma_wait3A_20] : memref<393216x128xf32, #tpu.memory_space<hbm>> -> memref<768x128xf32, #tpu.memory_space<hbm>>
        %dma_wait3A_22 = arith.constant 0 : i32
        %dma_wait3A_23 = tpu.memref_slice %arg4[%add3A_11, %dma_wait3A_22] : memref<393216x128xf32, #tpu.memory_space<hbm>> -> memref<768x128xf32, #tpu.memory_space<hbm>>
        tpu.wait_dma2 semaphore(%run_scoped3A : memref<!tpu.dma_semaphore, #tpu.memory_space<semaphore_mem>>) src(%arg6 : memref<768x128xf32, #tpu.memory_space<vmem>>) dst(%dma_wait3A_23 : memref<768x128xf32, #tpu.memory_space<hbm>>)
        tpu.yield
      }) : () -> ()
    }
    %scan3A_7 = arith.constant 16 : i32
    return
  }
}

#map = affine_map<(d0, d1) -> (0, 0)>
#map1 = affine_map<(d0, d1) -> (0)>
module attributes {stable_mosaic.version = 14 : i64} {
  func.func @gk(%arg0: i32, %arg1: i32, %arg2: memref<16384x128xf32, #tpu.memory_space<hbm>>, %arg3: memref<393216xi32, #tpu.memory_space<hbm>>, %arg4: memref<393216x128xf32, #tpu.memory_space<hbm>>, %arg5: memref<768xi32, #tpu.memory_space<vmem>>, %arg6: memref<768x128xf32, #tpu.memory_space<vmem>>, %arg7: memref<!tpu.dma_semaphore, #tpu.memory_space<semaphore_mem>>) attributes {dimension_semantics = [#tpu.dimension_semantics<core_parallel>, #tpu.dimension_semantics<subcore_parallel>], iteration_bounds = array<i64: 2, 16>, scalar_prefetch = 0 : i64, scratch_operands = 3 : i64, tpu.core_type = #tpu.core_type<sc_vector_subcore>, window_params = [{transform_indices = #map}, {transform_indices = #map1}, {transform_indices = #map}]} {
    %mul3A = arith.constant 2 : i32
    %mul3A_0 = arith.muli %arg1, %mul3A : i32
    %add3A = arith.addi %mul3A_0, %arg0 : i32
    %mul3A_1 = arith.constant 12288 : i32
    %mul3A_2 = arith.muli %add3A, %mul3A_1 : i32
    %scan3A = arith.constant 0 : i32
    %scan3A_3 = arith.constant 0 : i32
    %scan3A_4 = arith.constant 16 : i32
    %scan3A_5 = arith.addi %scan3A_3, %scan3A_4 : i32
    %scan3A_6 = arith.constant 1 : i32
    scf.for %scan3A_8 = %scan3A_3 to %scan3A_5 step %scan3A_6  : i32 {
      %mul3A_9 = arith.constant 768 : i32
      %mul3A_10 = arith.muli %scan3A_8, %mul3A_9 : i32
      %add3A_11 = arith.addi %mul3A_2, %mul3A_10 : i32
      "tpu.region"() ({
        %run_scoped3A = tpu.sem_alloc : memref<!tpu.dma_semaphore, #tpu.memory_space<semaphore_mem>>
        %dma_start3A_16 = tpu.memref_slice %arg3[%add3A_11] : memref<393216xi32, #tpu.memory_space<hbm>> -> memref<768xi32, #tpu.memory_space<hbm>>
        %dma_start3A_17 = tpu.memref_slice %arg3[%add3A_11] : memref<393216xi32, #tpu.memory_space<hbm>> -> memref<768xi32, #tpu.memory_space<hbm>>
        tpu.enqueue_dma source(%dma_start3A_17 : memref<768xi32, #tpu.memory_space<hbm>>) target(%arg5 : memref<768xi32, #tpu.memory_space<vmem>>) target_semaphore(%run_scoped3A : memref<!tpu.dma_semaphore, #tpu.memory_space<semaphore_mem>>)
        %dma_wait3A_18 = tpu.memref_slice %arg3[%add3A_11] : memref<393216xi32, #tpu.memory_space<hbm>> -> memref<768xi32, #tpu.memory_space<hbm>>
        %dma_wait3A_19 = tpu.memref_slice %arg3[%add3A_11] : memref<393216xi32, #tpu.memory_space<hbm>> -> memref<768xi32, #tpu.memory_space<hbm>>
        tpu.wait_dma2 semaphore(%run_scoped3A : memref<!tpu.dma_semaphore, #tpu.memory_space<semaphore_mem>>) src(%dma_wait3A_19 : memref<768xi32, #tpu.memory_space<hbm>>) dst(%arg5 : memref<768xi32, #tpu.memory_space<vmem>>)
        tpu.yield
      }) : () -> ()
      %dma_start3A = arith.constant 0 : i32
      %dma_start3A_12 = arith.constant 0 : i32
      %dma_start3A_13 = tpu.memref_slice %arg2[%dma_start3A, %dma_start3A_12] : memref<16384x128xf32, #tpu.memory_space<hbm>> -> memref<16384x128xf32, #tpu.memory_space<hbm>>
      tpu.enqueue_indirect_dma source(%dma_start3A_13 : memref<16384x128xf32, #tpu.memory_space<hbm>>) target(%arg6 : memref<768x128xf32, #tpu.memory_space<vmem>>) offsets(%arg5 : memref<768xi32, #tpu.memory_space<vmem>>) semaphore(%arg7 : memref<!tpu.dma_semaphore, #tpu.memory_space<semaphore_mem>>)
      %dma_wait3A = arith.constant 0 : i32
      %dma_wait3A_14 = arith.constant 0 : i32
      %dma_wait3A_15 = tpu.memref_slice %arg2[%dma_wait3A, %dma_wait3A_14] : memref<16384x128xf32, #tpu.memory_space<hbm>> -> memref<16384x128xf32, #tpu.memory_space<hbm>>
      tpu.wait_indirect_dma semaphore(%arg7 : memref<!tpu.dma_semaphore, #tpu.memory_space<semaphore_mem>>) src(%dma_wait3A_15 : memref<16384x128xf32, #tpu.memory_space<hbm>>) dst(%arg6 : memref<768x128xf32, #tpu.memory_space<vmem>>)
      "tpu.region"() ({
        %run_scoped3A = tpu.sem_alloc : memref<!tpu.dma_semaphore, #tpu.memory_space<semaphore_mem>>
        %dma_start3A_16 = arith.constant 0 : i32
        %dma_start3A_17 = tpu.memref_slice %arg4[%add3A_11, %dma_start3A_16] : memref<393216x128xf32, #tpu.memory_space<hbm>> -> memref<768x128xf32, #tpu.memory_space<hbm>>
        %dma_start3A_18 = arith.constant 0 : i32
        %dma_start3A_19 = tpu.memref_slice %arg4[%add3A_11, %dma_start3A_18] : memref<393216x128xf32, #tpu.memory_space<hbm>> -> memref<768x128xf32, #tpu.memory_space<hbm>>
        tpu.enqueue_dma source(%arg6 : memref<768x128xf32, #tpu.memory_space<vmem>>) target(%dma_start3A_19 : memref<768x128xf32, #tpu.memory_space<hbm>>) target_semaphore(%run_scoped3A : memref<!tpu.dma_semaphore, #tpu.memory_space<semaphore_mem>>)
        %dma_wait3A_20 = arith.constant 0 : i32
        %dma_wait3A_21 = tpu.memref_slice %arg4[%add3A_11, %dma_wait3A_20] : memref<393216x128xf32, #tpu.memory_space<hbm>> -> memref<768x128xf32, #tpu.memory_space<hbm>>
        %dma_wait3A_22 = arith.constant 0 : i32
        %dma_wait3A_23 = tpu.memref_slice %arg4[%add3A_11, %dma_wait3A_22] : memref<393216x128xf32, #tpu.memory_space<hbm>> -> memref<768x128xf32, #tpu.memory_space<hbm>>
        tpu.wait_dma2 semaphore(%run_scoped3A : memref<!tpu.dma_semaphore, #tpu.memory_space<semaphore_mem>>) src(%arg6 : memref<768x128xf32, #tpu.memory_space<vmem>>) dst(%dma_wait3A_23 : memref<768x128xf32, #tpu.memory_space<hbm>>)
        tpu.yield
      }) : () -> ()
    }
    %scan3A_7 = arith.constant 16 : i32
    return
  }
}

#map = affine_map<(d0, d1) -> (0, 0)>
#map1 = affine_map<(d0, d1) -> (0)>
module attributes {stable_mosaic.version = 14 : i64} {
  func.func @gk(%arg0: i32, %arg1: i32, %arg2: memref<16384x128xf32, #tpu.memory_space<hbm>>, %arg3: memref<393216xi32, #tpu.memory_space<hbm>>, %arg4: memref<393216x128xf32, #tpu.memory_space<hbm>>, %arg5: memref<768xi32, #tpu.memory_space<vmem>>, %arg6: memref<768x128xf32, #tpu.memory_space<vmem>>, %arg7: memref<!tpu.dma_semaphore, #tpu.memory_space<semaphore_mem>>) attributes {dimension_semantics = [#tpu.dimension_semantics<core_parallel>, #tpu.dimension_semantics<subcore_parallel>], iteration_bounds = array<i64: 2, 16>, scalar_prefetch = 0 : i64, scratch_operands = 3 : i64, tpu.core_type = #tpu.core_type<sc_vector_subcore>, window_params = [{transform_indices = #map}, {transform_indices = #map1}, {transform_indices = #map}]} {
    %mul3A = arith.constant 2 : i32
    %mul3A_0 = arith.muli %arg1, %mul3A : i32
    %add3A = arith.addi %mul3A_0, %arg0 : i32
    %mul3A_1 = arith.constant 12288 : i32
    %mul3A_2 = arith.muli %add3A, %mul3A_1 : i32
    %scan3A = arith.constant 0 : i32
    %scan3A_3 = arith.constant 0 : i32
    %scan3A_4 = arith.constant 16 : i32
    %scan3A_5 = arith.addi %scan3A_3, %scan3A_4 : i32
    %scan3A_6 = arith.constant 1 : i32
    scf.for %scan3A_8 = %scan3A_3 to %scan3A_5 step %scan3A_6  : i32 {
      %mul3A_9 = arith.constant 768 : i32
      %mul3A_10 = arith.muli %scan3A_8, %mul3A_9 : i32
      %add3A_11 = arith.addi %mul3A_2, %mul3A_10 : i32
      "tpu.region"() ({
        %run_scoped3A = tpu.sem_alloc : memref<!tpu.dma_semaphore, #tpu.memory_space<semaphore_mem>>
        %dma_start3A_16 = tpu.memref_slice %arg3[%add3A_11] : memref<393216xi32, #tpu.memory_space<hbm>> -> memref<768xi32, #tpu.memory_space<hbm>>
        %dma_start3A_17 = tpu.memref_slice %arg3[%add3A_11] : memref<393216xi32, #tpu.memory_space<hbm>> -> memref<768xi32, #tpu.memory_space<hbm>>
        tpu.enqueue_dma source(%dma_start3A_17 : memref<768xi32, #tpu.memory_space<hbm>>) target(%arg5 : memref<768xi32, #tpu.memory_space<vmem>>) target_semaphore(%run_scoped3A : memref<!tpu.dma_semaphore, #tpu.memory_space<semaphore_mem>>)
        %dma_wait3A_18 = tpu.memref_slice %arg3[%add3A_11] : memref<393216xi32, #tpu.memory_space<hbm>> -> memref<768xi32, #tpu.memory_space<hbm>>
        %dma_wait3A_19 = tpu.memref_slice %arg3[%add3A_11] : memref<393216xi32, #tpu.memory_space<hbm>> -> memref<768xi32, #tpu.memory_space<hbm>>
        tpu.wait_dma2 semaphore(%run_scoped3A : memref<!tpu.dma_semaphore, #tpu.memory_space<semaphore_mem>>) src(%dma_wait3A_19 : memref<768xi32, #tpu.memory_space<hbm>>) dst(%arg5 : memref<768xi32, #tpu.memory_space<vmem>>)
        tpu.yield
      }) : () -> ()
      %dma_start3A = arith.constant 0 : i32
      %dma_start3A_12 = arith.constant 0 : i32
      %dma_start3A_13 = tpu.memref_slice %arg2[%dma_start3A, %dma_start3A_12] : memref<16384x128xf32, #tpu.memory_space<hbm>> -> memref<16384x128xf32, #tpu.memory_space<hbm>>
      tpu.enqueue_indirect_dma source(%dma_start3A_13 : memref<16384x128xf32, #tpu.memory_space<hbm>>) target(%arg6 : memref<768x128xf32, #tpu.memory_space<vmem>>) offsets(%arg5 : memref<768xi32, #tpu.memory_space<vmem>>) semaphore(%arg7 : memref<!tpu.dma_semaphore, #tpu.memory_space<semaphore_mem>>)
      %dma_wait3A = arith.constant 0 : i32
      %dma_wait3A_14 = arith.constant 0 : i32
      %dma_wait3A_15 = tpu.memref_slice %arg2[%dma_wait3A, %dma_wait3A_14] : memref<16384x128xf32, #tpu.memory_space<hbm>> -> memref<16384x128xf32, #tpu.memory_space<hbm>>
      tpu.wait_indirect_dma semaphore(%arg7 : memref<!tpu.dma_semaphore, #tpu.memory_space<semaphore_mem>>) src(%dma_wait3A_15 : memref<16384x128xf32, #tpu.memory_space<hbm>>) dst(%arg6 : memref<768x128xf32, #tpu.memory_space<vmem>>)
      "tpu.region"() ({
        %run_scoped3A = tpu.sem_alloc : memref<!tpu.dma_semaphore, #tpu.memory_space<semaphore_mem>>
        %dma_start3A_16 = arith.constant 0 : i32
        %dma_start3A_17 = tpu.memref_slice %arg4[%add3A_11, %dma_start3A_16] : memref<393216x128xf32, #tpu.memory_space<hbm>> -> memref<768x128xf32, #tpu.memory_space<hbm>>
        %dma_start3A_18 = arith.constant 0 : i32
        %dma_start3A_19 = tpu.memref_slice %arg4[%add3A_11, %dma_start3A_18] : memref<393216x128xf32, #tpu.memory_space<hbm>> -> memref<768x128xf32, #tpu.memory_space<hbm>>
        tpu.enqueue_dma source(%arg6 : memref<768x128xf32, #tpu.memory_space<vmem>>) target(%dma_start3A_19 : memref<768x128xf32, #tpu.memory_space<hbm>>) target_semaphore(%run_scoped3A : memref<!tpu.dma_semaphore, #tpu.memory_space<semaphore_mem>>)
        %dma_wait3A_20 = arith.constant 0 : i32
        %dma_wait3A_21 = tpu.memref_slice %arg4[%add3A_11, %dma_wait3A_20] : memref<393216x128xf32, #tpu.memory_space<hbm>> -> memref<768x128xf32, #tpu.memory_space<hbm>>
        %dma_wait3A_22 = arith.constant 0 : i32
        %dma_wait3A_23 = tpu.memref_slice %arg4[%add3A_11, %dma_wait3A_22] : memref<393216x128xf32, #tpu.memory_space<hbm>> -> memref<768x128xf32, #tpu.memory_space<hbm>>
        tpu.wait_dma2 semaphore(%run_scoped3A : memref<!tpu.dma_semaphore, #tpu.memory_space<semaphore_mem>>) src(%arg6 : memref<768x128xf32, #tpu.memory_space<vmem>>) dst(%dma_wait3A_23 : memref<768x128xf32, #tpu.memory_space<hbm>>)
        tpu.yield
      }) : () -> ()
    }
    %scan3A_7 = arith.constant 16 : i32
    return
  }
}

module attributes {stable_mosaic.version = 14 : i64} {
  func.func @_knn_body(%arg0: i32, %arg1: i32, %arg2: memref<1x128x8xf32, #tpu.memory_space<vmem>>, %arg3: memref<1x8x2048xf32, #tpu.memory_space<vmem>>, %arg4: memref<1x128x24xi32, #tpu.memory_space<vmem>>) attributes {dimension_semantics = [#tpu.dimension_semantics<arbitrary>, #tpu.dimension_semantics<arbitrary>], iteration_bounds = array<i64: 8, 16>, scalar_prefetch = 0 : i64, scratch_operands = 0 : i64, tpu.core_type = #tpu.core_type<tc>, window_params = [{transform_indices = @transform_0, window_bounds = array<i64: 1, 128, 8>}, {transform_indices = @transform_1, window_bounds = array<i64: 1, 8, 2048>}, {transform_indices = @transform_2, window_bounds = array<i64: 1, 128, 24>}]} {
    %get3A = arith.constant 0 : index
    %get3A_0 = arith.constant 0 : index
    %get3A_1 = arith.constant 0 : index
    %get3A_2 = vector.load %arg2[%get3A, %get3A_0, %get3A_1] : memref<1x128x8xf32, #tpu.memory_space<vmem>>, vector<1x128x8xf32>
    %get3A_3 = vector.shape_cast %get3A_2 : vector<1x128x8xf32> to vector<128x8xf32>
    %get3A_4 = arith.constant 0 : index
    %get3A_5 = arith.constant 0 : index
    %get3A_6 = arith.constant 0 : index
    %get3A_7 = vector.load %arg3[%get3A_4, %get3A_5, %get3A_6] : memref<1x8x2048xf32, #tpu.memory_space<vmem>>, vector<1x8x2048xf32>
    %get3A_8 = vector.shape_cast %get3A_7 : vector<1x8x2048xf32> to vector<8x2048xf32>
    %mul3A = arith.mulf %get3A_3, %get3A_3 : vector<128x8xf32>
    %reduce_sum3A = arith.constant dense<0.000000e+00> : vector<128xf32>
    %reduce_sum3A_9 = vector.multi_reduction <add>, %mul3A, %reduce_sum3A [1] : vector<128x8xf32> to vector<128xf32>
    %broadcast_in_dim3A = vector.shape_cast %reduce_sum3A_9 : vector<128xf32> to vector<128x1xf32>
    %mul3A_10 = arith.mulf %get3A_8, %get3A_8 : vector<8x2048xf32>
    %reduce_sum3A_11 = arith.constant dense<0.000000e+00> : vector<2048xf32>
    %reduce_sum3A_12 = vector.multi_reduction <add>, %mul3A_10, %reduce_sum3A_11 [0] : vector<8x2048xf32> to vector<2048xf32>
    %broadcast_in_dim3A_13 = vector.shape_cast %reduce_sum3A_12 : vector<2048xf32> to vector<1x2048xf32>
    %add3A = vector.broadcast %broadcast_in_dim3A : vector<128x1xf32> to vector<128x2048xf32>
    %add3A_14 = vector.broadcast %broadcast_in_dim3A_13 : vector<1x2048xf32> to vector<128x2048xf32>
    %add3A_15 = arith.addf %add3A, %add3A_14 : vector<128x2048xf32>
    %dot_general3A = arith.constant dense<0.000000e+00> : vector<128x2048xf32>
    %dot_general3A_16 = tpu.matmul %get3A_3, %get3A_8, %dot_general3A {dimension_numbers = #tpu.dot_dimension_numbers<[1], [0], [0], [1], [0, 0, 1, 1], [], []>, transpose_lhs_hint = false} : vector<128x8xf32>, vector<8x2048xf32>, vector<128x2048xf32> -> vector<128x2048xf32>
    %mul3A_17 = arith.constant 2.000000e+00 : f32
    %mul3A_18 = vector.broadcast %mul3A_17 : f32 to vector<128x2048xf32>
    %mul3A_19 = arith.mulf %mul3A_18, %dot_general3A_16 : vector<128x2048xf32>
    %sub3A = arith.subf %add3A_15, %mul3A_19 : vector<128x2048xf32>
    %iota3A = tpu.iota {dimensions = array<i32: 1>} : vector<128x2048xi32>
    %reduce_min3A = arith.constant dense<0x7F800000> : vector<128xf32>
    %reduce_min3A_20 = vector.multi_reduction <minimumf>, %sub3A, %reduce_min3A [1] : vector<128x2048xf32> to vector<128xf32>
    %broadcast_in_dim3A_21 = vector.shape_cast %reduce_min3A_20 : vector<128xf32> to vector<128x1xf32>
    %eq3A = vector.broadcast %broadcast_in_dim3A_21 : vector<128x1xf32> to vector<128x2048xf32>
    %eq3A_22 = arith.cmpf oeq, %sub3A, %eq3A : vector<128x2048xf32>
    %jit3A = arith.constant 2048 : i32
    %broadcast_in_dim3A_23 = vector.broadcast %jit3A : i32 to vector<128x2048xi32>
    %select_n3A = arith.select %eq3A_22, %iota3A, %broadcast_in_dim3A_23 : vector<128x2048xi1>, vector<128x2048xi32>
    %reduce_min3A_24 = arith.constant dense<2147483647> : vector<128xi32>
    %reduce_min3A_25 = vector.multi_reduction <minsi>, %select_n3A, %reduce_min3A_24 [1] : vector<128x2048xi32> to vector<128xi32>
    %broadcast_in_dim3A_26 = vector.shape_cast %reduce_min3A_25 : vector<128xi32> to vector<128x1xi32>
    %eq3A_27 = vector.broadcast %broadcast_in_dim3A_26 : vector<128x1xi32> to vector<128x2048xi32>
    %eq3A_28 = arith.cmpi eq, %iota3A, %eq3A_27 : vector<128x2048xi32>
    %jit3A_29 = arith.constant 0x7F800000 : f32
    %broadcast_in_dim3A_30 = vector.broadcast %jit3A_29 : f32 to vector<128x2048xf32>
    %select_n3A_31 = arith.select %eq3A_28, %broadcast_in_dim3A_30, %sub3A : vector<128x2048xi1>, vector<128x2048xf32>
    %reduce_min3A_32 = arith.constant dense<0x7F800000> : vector<128xf32>
    %reduce_min3A_33 = vector.multi_reduction <minimumf>, %select_n3A_31, %reduce_min3A_32 [1] : vector<128x2048xf32> to vector<128xf32>
    %broadcast_in_dim3A_34 = vector.shape_cast %reduce_min3A_33 : vector<128xf32> to vector<128x1xf32>
    %eq3A_35 = vector.broadcast %broadcast_in_dim3A_34 : vector<128x1xf32> to vector<128x2048xf32>
    %eq3A_36 = arith.cmpf oeq, %select_n3A_31, %eq3A_35 : vector<128x2048xf32>
    %jit3A_37 = arith.constant 2048 : i32
    %broadcast_in_dim3A_38 = vector.broadcast %jit3A_37 : i32 to vector<128x2048xi32>
    %select_n3A_39 = arith.select %eq3A_36, %iota3A, %broadcast_in_dim3A_38 : vector<128x2048xi1>, vector<128x2048xi32>
    %reduce_min3A_40 = arith.constant dense<2147483647> : vector<128xi32>
    %reduce_min3A_41 = vector.multi_reduction <minsi>, %select_n3A_39, %reduce_min3A_40 [1] : vector<128x2048xi32> to vector<128xi32>
    %broadcast_in_dim3A_42 = vector.shape_cast %reduce_min3A_41 : vector<128xi32> to vector<128x1xi32>
    %eq3A_43 = vector.broadcast %broadcast_in_dim3A_42 : vector<128x1xi32> to vector<128x2048xi32>
    %eq3A_44 = arith.cmpi eq, %iota3A, %eq3A_43 : vector<128x2048xi32>
    %jit3A_45 = arith.constant 0x7F800000 : f32
    %broadcast_in_dim3A_46 = vector.broadcast %jit3A_45 : f32 to vector<128x2048xf32>
    %select_n3A_47 = arith.select %eq3A_44, %broadcast_in_dim3A_46, %select_n3A_31 : vector<128x2048xi1>, vector<128x2048xf32>
    %reduce_min3A_48 = arith.constant dense<0x7F800000> : vector<128xf32>
    %reduce_min3A_49 = vector.multi_reduction <minimumf>, %select_n3A_47, %reduce_min3A_48 [1] : vector<128x2048xf32> to vector<128xf32>
    %broadcast_in_dim3A_50 = vector.shape_cast %reduce_min3A_49 : vector<128xf32> to vector<128x1xf32>
    %eq3A_51 = vector.broadcast %broadcast_in_dim3A_50 : vector<128x1xf32> to vector<128x2048xf32>
    %eq3A_52 = arith.cmpf oeq, %select_n3A_47, %eq3A_51 : vector<128x2048xf32>
    %jit3A_53 = arith.constant 2048 : i32
    %broadcast_in_dim3A_54 = vector.broadcast %jit3A_53 : i32 to vector<128x2048xi32>
    %select_n3A_55 = arith.select %eq3A_52, %iota3A, %broadcast_in_dim3A_54 : vector<128x2048xi1>, vector<128x2048xi32>
    %reduce_min3A_56 = arith.constant dense<2147483647> : vector<128xi32>
    %reduce_min3A_57 = vector.multi_reduction <minsi>, %select_n3A_55, %reduce_min3A_56 [1] : vector<128x2048xi32> to vector<128xi32>
    %broadcast_in_dim3A_58 = vector.shape_cast %reduce_min3A_57 : vector<128xi32> to vector<128x1xi32>
    %eq3A_59 = vector.broadcast %broadcast_in_dim3A_58 : vector<128x1xi32> to vector<128x2048xi32>
    %eq3A_60 = arith.cmpi eq, %iota3A, %eq3A_59 : vector<128x2048xi32>
    %jit3A_61 = arith.constant 0x7F800000 : f32
    %broadcast_in_dim3A_62 = vector.broadcast %jit3A_61 : f32 to vector<128x2048xf32>
    %select_n3A_63 = arith.select %eq3A_60, %broadcast_in_dim3A_62, %select_n3A_47 : vector<128x2048xi1>, vector<128x2048xf32>
    %reduce_min3A_64 = arith.constant dense<0x7F800000> : vector<128xf32>
    %reduce_min3A_65 = vector.multi_reduction <minimumf>, %select_n3A_63, %reduce_min3A_64 [1] : vector<128x2048xf32> to vector<128xf32>
    %broadcast_in_dim3A_66 = vector.shape_cast %reduce_min3A_65 : vector<128xf32> to vector<128x1xf32>
    %eq3A_67 = vector.broadcast %broadcast_in_dim3A_66 : vector<128x1xf32> to vector<128x2048xf32>
    %eq3A_68 = arith.cmpf oeq, %select_n3A_63, %eq3A_67 : vector<128x2048xf32>
    %jit3A_69 = arith.constant 2048 : i32
    %broadcast_in_dim3A_70 = vector.broadcast %jit3A_69 : i32 to vector<128x2048xi32>
    %select_n3A_71 = arith.select %eq3A_68, %iota3A, %broadcast_in_dim3A_70 : vector<128x2048xi1>, vector<128x2048xi32>
    %reduce_min3A_72 = arith.constant dense<2147483647> : vector<128xi32>
    %reduce_min3A_73 = vector.multi_reduction <minsi>, %select_n3A_71, %reduce_min3A_72 [1] : vector<128x2048xi32> to vector<128xi32>
    %broadcast_in_dim3A_74 = vector.shape_cast %reduce_min3A_73 : vector<128xi32> to vector<128x1xi32>
    %eq3A_75 = vector.broadcast %broadcast_in_dim3A_74 : vector<128x1xi32> to vector<128x2048xi32>
    %eq3A_76 = arith.cmpi eq, %iota3A, %eq3A_75 : vector<128x2048xi32>
    %jit3A_77 = arith.constant 0x7F800000 : f32
    %broadcast_in_dim3A_78 = vector.broadcast %jit3A_77 : f32 to vector<128x2048xf32>
    %select_n3A_79 = arith.select %eq3A_76, %broadcast_in_dim3A_78, %select_n3A_63 : vector<128x2048xi1>, vector<128x2048xf32>
    %reduce_min3A_80 = arith.constant dense<0x7F800000> : vector<128xf32>
    %reduce_min3A_81 = vector.multi_reduction <minimumf>, %select_n3A_79, %reduce_min3A_80 [1] : vector<128x2048xf32> to vector<128xf32>
    %broadcast_in_dim3A_82 = vector.shape_cast %reduce_min3A_81 : vector<128xf32> to vector<128x1xf32>
    %eq3A_83 = vector.broadcast %broadcast_in_dim3A_82 : vector<128x1xf32> to vector<128x2048xf32>
    %eq3A_84 = arith.cmpf oeq, %select_n3A_79, %eq3A_83 : vector<128x2048xf32>
    %jit3A_85 = arith.constant 2048 : i32
    %broadcast_in_dim3A_86 = vector.broadcast %jit3A_85 : i32 to vector<128x2048xi32>
    %select_n3A_87 = arith.select %eq3A_84, %iota3A, %broadcast_in_dim3A_86 : vector<128x2048xi1>, vector<128x2048xi32>
    %reduce_min3A_88 = arith.constant dense<2147483647> : vector<128xi32>
    %reduce_min3A_89 = vector.multi_reduction <minsi>, %select_n3A_87, %reduce_min3A_88 [1] : vector<128x2048xi32> to vector<128xi32>
    %broadcast_in_dim3A_90 = vector.shape_cast %reduce_min3A_89 : vector<128xi32> to vector<128x1xi32>
    %eq3A_91 = vector.broadcast %broadcast_in_dim3A_90 : vector<128x1xi32> to vector<128x2048xi32>
    %eq3A_92 = arith.cmpi eq, %iota3A, %eq3A_91 : vector<128x2048xi32>
    %jit3A_93 = arith.constant 0x7F800000 : f32
    %broadcast_in_dim3A_94 = vector.broadcast %jit3A_93 : f32 to vector<128x2048xf32>
    %select_n3A_95 = arith.select %eq3A_92, %broadcast_in_dim3A_94, %select_n3A_79 : vector<128x2048xi1>, vector<128x2048xf32>
    %reduce_min3A_96 = arith.constant dense<0x7F800000> : vector<128xf32>
    %reduce_min3A_97 = vector.multi_reduction <minimumf>, %select_n3A_95, %reduce_min3A_96 [1] : vector<128x2048xf32> to vector<128xf32>
    %broadcast_in_dim3A_98 = vector.shape_cast %reduce_min3A_97 : vector<128xf32> to vector<128x1xf32>
    %eq3A_99 = vector.broadcast %broadcast_in_dim3A_98 : vector<128x1xf32> to vector<128x2048xf32>
    %eq3A_100 = arith.cmpf oeq, %select_n3A_95, %eq3A_99 : vector<128x2048xf32>
    %jit3A_101 = arith.constant 2048 : i32
    %broadcast_in_dim3A_102 = vector.broadcast %jit3A_101 : i32 to vector<128x2048xi32>
    %select_n3A_103 = arith.select %eq3A_100, %iota3A, %broadcast_in_dim3A_102 : vector<128x2048xi1>, vector<128x2048xi32>
    %reduce_min3A_104 = arith.constant dense<2147483647> : vector<128xi32>
    %reduce_min3A_105 = vector.multi_reduction <minsi>, %select_n3A_103, %reduce_min3A_104 [1] : vector<128x2048xi32> to vector<128xi32>
    %broadcast_in_dim3A_106 = vector.shape_cast %reduce_min3A_105 : vector<128xi32> to vector<128x1xi32>
    %eq3A_107 = vector.broadcast %broadcast_in_dim3A_106 : vector<128x1xi32> to vector<128x2048xi32>
    %eq3A_108 = arith.cmpi eq, %iota3A, %eq3A_107 : vector<128x2048xi32>
    %jit3A_109 = arith.constant 0x7F800000 : f32
    %broadcast_in_dim3A_110 = vector.broadcast %jit3A_109 : f32 to vector<128x2048xf32>
    %select_n3A_111 = arith.select %eq3A_108, %broadcast_in_dim3A_110, %select_n3A_95 : vector<128x2048xi1>, vector<128x2048xf32>
    %reduce_min3A_112 = arith.constant dense<0x7F800000> : vector<128xf32>
    %reduce_min3A_113 = vector.multi_reduction <minimumf>, %select_n3A_111, %reduce_min3A_112 [1] : vector<128x2048xf32> to vector<128xf32>
    %broadcast_in_dim3A_114 = vector.shape_cast %reduce_min3A_113 : vector<128xf32> to vector<128x1xf32>
    %eq3A_115 = vector.broadcast %broadcast_in_dim3A_114 : vector<128x1xf32> to vector<128x2048xf32>
    %eq3A_116 = arith.cmpf oeq, %select_n3A_111, %eq3A_115 : vector<128x2048xf32>
    %jit3A_117 = arith.constant 2048 : i32
    %broadcast_in_dim3A_118 = vector.broadcast %jit3A_117 : i32 to vector<128x2048xi32>
    %select_n3A_119 = arith.select %eq3A_116, %iota3A, %broadcast_in_dim3A_118 : vector<128x2048xi1>, vector<128x2048xi32>
    %reduce_min3A_120 = arith.constant dense<2147483647> : vector<128xi32>
    %reduce_min3A_121 = vector.multi_reduction <minsi>, %select_n3A_119, %reduce_min3A_120 [1] : vector<128x2048xi32> to vector<128xi32>
    %broadcast_in_dim3A_122 = vector.shape_cast %reduce_min3A_121 : vector<128xi32> to vector<128x1xi32>
    %eq3A_123 = vector.broadcast %broadcast_in_dim3A_122 : vector<128x1xi32> to vector<128x2048xi32>
    %eq3A_124 = arith.cmpi eq, %iota3A, %eq3A_123 : vector<128x2048xi32>
    %jit3A_125 = arith.constant 0x7F800000 : f32
    %broadcast_in_dim3A_126 = vector.broadcast %jit3A_125 : f32 to vector<128x2048xf32>
    %select_n3A_127 = arith.select %eq3A_124, %broadcast_in_dim3A_126, %select_n3A_111 : vector<128x2048xi1>, vector<128x2048xf32>
    %reduce_min3A_128 = arith.constant dense<0x7F800000> : vector<128xf32>
    %reduce_min3A_129 = vector.multi_reduction <minimumf>, %select_n3A_127, %reduce_min3A_128 [1] : vector<128x2048xf32> to vector<128xf32>
    %broadcast_in_dim3A_130 = vector.shape_cast %reduce_min3A_129 : vector<128xf32> to vector<128x1xf32>
    %eq3A_131 = vector.broadcast %broadcast_in_dim3A_130 : vector<128x1xf32> to vector<128x2048xf32>
    %eq3A_132 = arith.cmpf oeq, %select_n3A_127, %eq3A_131 : vector<128x2048xf32>
    %jit3A_133 = arith.constant 2048 : i32
    %broadcast_in_dim3A_134 = vector.broadcast %jit3A_133 : i32 to vector<128x2048xi32>
    %select_n3A_135 = arith.select %eq3A_132, %iota3A, %broadcast_in_dim3A_134 : vector<128x2048xi1>, vector<128x2048xi32>
    %reduce_min3A_136 = arith.constant dense<2147483647> : vector<128xi32>
    %reduce_min3A_137 = vector.multi_reduction <minsi>, %select_n3A_135, %reduce_min3A_136 [1] : vector<128x2048xi32> to vector<128xi32>
    %broadcast_in_dim3A_138 = vector.shape_cast %reduce_min3A_137 : vector<128xi32> to vector<128x1xi32>
    %eq3A_139 = vector.broadcast %broadcast_in_dim3A_138 : vector<128x1xi32> to vector<128x2048xi32>
    %eq3A_140 = arith.cmpi eq, %iota3A, %eq3A_139 : vector<128x2048xi32>
    %jit3A_141 = arith.constant 0x7F800000 : f32
    %broadcast_in_dim3A_142 = vector.broadcast %jit3A_141 : f32 to vector<128x2048xf32>
    %select_n3A_143 = arith.select %eq3A_140, %broadcast_in_dim3A_142, %select_n3A_127 : vector<128x2048xi1>, vector<128x2048xf32>
    %reduce_min3A_144 = arith.constant dense<0x7F800000> : vector<128xf32>
    %reduce_min3A_145 = vector.multi_reduction <minimumf>, %select_n3A_143, %reduce_min3A_144 [1] : vector<128x2048xf32> to vector<128xf32>
    %broadcast_in_dim3A_146 = vector.shape_cast %reduce_min3A_145 : vector<128xf32> to vector<128x1xf32>
    %eq3A_147 = vector.broadcast %broadcast_in_dim3A_146 : vector<128x1xf32> to vector<128x2048xf32>
    %eq3A_148 = arith.cmpf oeq, %select_n3A_143, %eq3A_147 : vector<128x2048xf32>
    %jit3A_149 = arith.constant 2048 : i32
    %broadcast_in_dim3A_150 = vector.broadcast %jit3A_149 : i32 to vector<128x2048xi32>
    %select_n3A_151 = arith.select %eq3A_148, %iota3A, %broadcast_in_dim3A_150 : vector<128x2048xi1>, vector<128x2048xi32>
    %reduce_min3A_152 = arith.constant dense<2147483647> : vector<128xi32>
    %reduce_min3A_153 = vector.multi_reduction <minsi>, %select_n3A_151, %reduce_min3A_152 [1] : vector<128x2048xi32> to vector<128xi32>
    %broadcast_in_dim3A_154 = vector.shape_cast %reduce_min3A_153 : vector<128xi32> to vector<128x1xi32>
    %eq3A_155 = vector.broadcast %broadcast_in_dim3A_154 : vector<128x1xi32> to vector<128x2048xi32>
    %eq3A_156 = arith.cmpi eq, %iota3A, %eq3A_155 : vector<128x2048xi32>
    %jit3A_157 = arith.constant 0x7F800000 : f32
    %broadcast_in_dim3A_158 = vector.broadcast %jit3A_157 : f32 to vector<128x2048xf32>
    %select_n3A_159 = arith.select %eq3A_156, %broadcast_in_dim3A_158, %select_n3A_143 : vector<128x2048xi1>, vector<128x2048xf32>
    %reduce_min3A_160 = arith.constant dense<0x7F800000> : vector<128xf32>
    %reduce_min3A_161 = vector.multi_reduction <minimumf>, %select_n3A_159, %reduce_min3A_160 [1] : vector<128x2048xf32> to vector<128xf32>
    %broadcast_in_dim3A_162 = vector.shape_cast %reduce_min3A_161 : vector<128xf32> to vector<128x1xf32>
    %eq3A_163 = vector.broadcast %broadcast_in_dim3A_162 : vector<128x1xf32> to vector<128x2048xf32>
    %eq3A_164 = arith.cmpf oeq, %select_n3A_159, %eq3A_163 : vector<128x2048xf32>
    %jit3A_165 = arith.constant 2048 : i32
    %broadcast_in_dim3A_166 = vector.broadcast %jit3A_165 : i32 to vector<128x2048xi32>
    %select_n3A_167 = arith.select %eq3A_164, %iota3A, %broadcast_in_dim3A_166 : vector<128x2048xi1>, vector<128x2048xi32>
    %reduce_min3A_168 = arith.constant dense<2147483647> : vector<128xi32>
    %reduce_min3A_169 = vector.multi_reduction <minsi>, %select_n3A_167, %reduce_min3A_168 [1] : vector<128x2048xi32> to vector<128xi32>
    %broadcast_in_dim3A_170 = vector.shape_cast %reduce_min3A_169 : vector<128xi32> to vector<128x1xi32>
    %eq3A_171 = vector.broadcast %broadcast_in_dim3A_170 : vector<128x1xi32> to vector<128x2048xi32>
    %eq3A_172 = arith.cmpi eq, %iota3A, %eq3A_171 : vector<128x2048xi32>
    %jit3A_173 = arith.constant 0x7F800000 : f32
    %broadcast_in_dim3A_174 = vector.broadcast %jit3A_173 : f32 to vector<128x2048xf32>
    %select_n3A_175 = arith.select %eq3A_172, %broadcast_in_dim3A_174, %select_n3A_159 : vector<128x2048xi1>, vector<128x2048xf32>
    %reduce_min3A_176 = arith.constant dense<0x7F800000> : vector<128xf32>
    %reduce_min3A_177 = vector.multi_reduction <minimumf>, %select_n3A_175, %reduce_min3A_176 [1] : vector<128x2048xf32> to vector<128xf32>
    %broadcast_in_dim3A_178 = vector.shape_cast %reduce_min3A_177 : vector<128xf32> to vector<128x1xf32>
    %eq3A_179 = vector.broadcast %broadcast_in_dim3A_178 : vector<128x1xf32> to vector<128x2048xf32>
    %eq3A_180 = arith.cmpf oeq, %select_n3A_175, %eq3A_179 : vector<128x2048xf32>
    %jit3A_181 = arith.constant 2048 : i32
    %broadcast_in_dim3A_182 = vector.broadcast %jit3A_181 : i32 to vector<128x2048xi32>
    %select_n3A_183 = arith.select %eq3A_180, %iota3A, %broadcast_in_dim3A_182 : vector<128x2048xi1>, vector<128x2048xi32>
    %reduce_min3A_184 = arith.constant dense<2147483647> : vector<128xi32>
    %reduce_min3A_185 = vector.multi_reduction <minsi>, %select_n3A_183, %reduce_min3A_184 [1] : vector<128x2048xi32> to vector<128xi32>
    %broadcast_in_dim3A_186 = vector.shape_cast %reduce_min3A_185 : vector<128xi32> to vector<128x1xi32>
    %eq3A_187 = vector.broadcast %broadcast_in_dim3A_186 : vector<128x1xi32> to vector<128x2048xi32>
    %eq3A_188 = arith.cmpi eq, %iota3A, %eq3A_187 : vector<128x2048xi32>
    %jit3A_189 = arith.constant 0x7F800000 : f32
    %broadcast_in_dim3A_190 = vector.broadcast %jit3A_189 : f32 to vector<128x2048xf32>
    %select_n3A_191 = arith.select %eq3A_188, %broadcast_in_dim3A_190, %select_n3A_175 : vector<128x2048xi1>, vector<128x2048xf32>
    %reduce_min3A_192 = arith.constant dense<0x7F800000> : vector<128xf32>
    %reduce_min3A_193 = vector.multi_reduction <minimumf>, %select_n3A_191, %reduce_min3A_192 [1] : vector<128x2048xf32> to vector<128xf32>
    %broadcast_in_dim3A_194 = vector.shape_cast %reduce_min3A_193 : vector<128xf32> to vector<128x1xf32>
    %eq3A_195 = vector.broadcast %broadcast_in_dim3A_194 : vector<128x1xf32> to vector<128x2048xf32>
    %eq3A_196 = arith.cmpf oeq, %select_n3A_191, %eq3A_195 : vector<128x2048xf32>
    %jit3A_197 = arith.constant 2048 : i32
    %broadcast_in_dim3A_198 = vector.broadcast %jit3A_197 : i32 to vector<128x2048xi32>
    %select_n3A_199 = arith.select %eq3A_196, %iota3A, %broadcast_in_dim3A_198 : vector<128x2048xi1>, vector<128x2048xi32>
    %reduce_min3A_200 = arith.constant dense<2147483647> : vector<128xi32>
    %reduce_min3A_201 = vector.multi_reduction <minsi>, %select_n3A_199, %reduce_min3A_200 [1] : vector<128x2048xi32> to vector<128xi32>
    %broadcast_in_dim3A_202 = vector.shape_cast %reduce_min3A_201 : vector<128xi32> to vector<128x1xi32>
    %eq3A_203 = vector.broadcast %broadcast_in_dim3A_202 : vector<128x1xi32> to vector<128x2048xi32>
    %eq3A_204 = arith.cmpi eq, %iota3A, %eq3A_203 : vector<128x2048xi32>
    %jit3A_205 = arith.constant 0x7F800000 : f32
    %broadcast_in_dim3A_206 = vector.broadcast %jit3A_205 : f32 to vector<128x2048xf32>
    %select_n3A_207 = arith.select %eq3A_204, %broadcast_in_dim3A_206, %select_n3A_191 : vector<128x2048xi1>, vector<128x2048xf32>
    %reduce_min3A_208 = arith.constant dense<0x7F800000> : vector<128xf32>
    %reduce_min3A_209 = vector.multi_reduction <minimumf>, %select_n3A_207, %reduce_min3A_208 [1] : vector<128x2048xf32> to vector<128xf32>
    %broadcast_in_dim3A_210 = vector.shape_cast %reduce_min3A_209 : vector<128xf32> to vector<128x1xf32>
    %eq3A_211 = vector.broadcast %broadcast_in_dim3A_210 : vector<128x1xf32> to vector<128x2048xf32>
    %eq3A_212 = arith.cmpf oeq, %select_n3A_207, %eq3A_211 : vector<128x2048xf32>
    %jit3A_213 = arith.constant 2048 : i32
    %broadcast_in_dim3A_214 = vector.broadcast %jit3A_213 : i32 to vector<128x2048xi32>
    %select_n3A_215 = arith.select %eq3A_212, %iota3A, %broadcast_in_dim3A_214 : vector<128x2048xi1>, vector<128x2048xi32>
    %reduce_min3A_216 = arith.constant dense<2147483647> : vector<128xi32>
    %reduce_min3A_217 = vector.multi_reduction <minsi>, %select_n3A_215, %reduce_min3A_216 [1] : vector<128x2048xi32> to vector<128xi32>
    %broadcast_in_dim3A_218 = vector.shape_cast %reduce_min3A_217 : vector<128xi32> to vector<128x1xi32>
    %eq3A_219 = vector.broadcast %broadcast_in_dim3A_218 : vector<128x1xi32> to vector<128x2048xi32>
    %eq3A_220 = arith.cmpi eq, %iota3A, %eq3A_219 : vector<128x2048xi32>
    %jit3A_221 = arith.constant 0x7F800000 : f32
    %broadcast_in_dim3A_222 = vector.broadcast %jit3A_221 : f32 to vector<128x2048xf32>
    %select_n3A_223 = arith.select %eq3A_220, %broadcast_in_dim3A_222, %select_n3A_207 : vector<128x2048xi1>, vector<128x2048xf32>
    %reduce_min3A_224 = arith.constant dense<0x7F800000> : vector<128xf32>
    %reduce_min3A_225 = vector.multi_reduction <minimumf>, %select_n3A_223, %reduce_min3A_224 [1] : vector<128x2048xf32> to vector<128xf32>
    %broadcast_in_dim3A_226 = vector.shape_cast %reduce_min3A_225 : vector<128xf32> to vector<128x1xf32>
    %eq3A_227 = vector.broadcast %broadcast_in_dim3A_226 : vector<128x1xf32> to vector<128x2048xf32>
    %eq3A_228 = arith.cmpf oeq, %select_n3A_223, %eq3A_227 : vector<128x2048xf32>
    %jit3A_229 = arith.constant 2048 : i32
    %broadcast_in_dim3A_230 = vector.broadcast %jit3A_229 : i32 to vector<128x2048xi32>
    %select_n3A_231 = arith.select %eq3A_228, %iota3A, %broadcast_in_dim3A_230 : vector<128x2048xi1>, vector<128x2048xi32>
    %reduce_min3A_232 = arith.constant dense<2147483647> : vector<128xi32>
    %reduce_min3A_233 = vector.multi_reduction <minsi>, %select_n3A_231, %reduce_min3A_232 [1] : vector<128x2048xi32> to vector<128xi32>
    %broadcast_in_dim3A_234 = vector.shape_cast %reduce_min3A_233 : vector<128xi32> to vector<128x1xi32>
    %eq3A_235 = vector.broadcast %broadcast_in_dim3A_234 : vector<128x1xi32> to vector<128x2048xi32>
    %eq3A_236 = arith.cmpi eq, %iota3A, %eq3A_235 : vector<128x2048xi32>
    %jit3A_237 = arith.constant 0x7F800000 : f32
    %broadcast_in_dim3A_238 = vector.broadcast %jit3A_237 : f32 to vector<128x2048xf32>
    %select_n3A_239 = arith.select %eq3A_236, %broadcast_in_dim3A_238, %select_n3A_223 : vector<128x2048xi1>, vector<128x2048xf32>
    %reduce_min3A_240 = arith.constant dense<0x7F800000> : vector<128xf32>
    %reduce_min3A_241 = vector.multi_reduction <minimumf>, %select_n3A_239, %reduce_min3A_240 [1] : vector<128x2048xf32> to vector<128xf32>
    %broadcast_in_dim3A_242 = vector.shape_cast %reduce_min3A_241 : vector<128xf32> to vector<128x1xf32>
    %eq3A_243 = vector.broadcast %broadcast_in_dim3A_242 : vector<128x1xf32> to vector<128x2048xf32>
    %eq3A_244 = arith.cmpf oeq, %select_n3A_239, %eq3A_243 : vector<128x2048xf32>
    %jit3A_245 = arith.constant 2048 : i32
    %broadcast_in_dim3A_246 = vector.broadcast %jit3A_245 : i32 to vector<128x2048xi32>
    %select_n3A_247 = arith.select %eq3A_244, %iota3A, %broadcast_in_dim3A_246 : vector<128x2048xi1>, vector<128x2048xi32>
    %reduce_min3A_248 = arith.constant dense<2147483647> : vector<128xi32>
    %reduce_min3A_249 = vector.multi_reduction <minsi>, %select_n3A_247, %reduce_min3A_248 [1] : vector<128x2048xi32> to vector<128xi32>
    %broadcast_in_dim3A_250 = vector.shape_cast %reduce_min3A_249 : vector<128xi32> to vector<128x1xi32>
    %eq3A_251 = vector.broadcast %broadcast_in_dim3A_250 : vector<128x1xi32> to vector<128x2048xi32>
    %eq3A_252 = arith.cmpi eq, %iota3A, %eq3A_251 : vector<128x2048xi32>
    %jit3A_253 = arith.constant 0x7F800000 : f32
    %broadcast_in_dim3A_254 = vector.broadcast %jit3A_253 : f32 to vector<128x2048xf32>
    %select_n3A_255 = arith.select %eq3A_252, %broadcast_in_dim3A_254, %select_n3A_239 : vector<128x2048xi1>, vector<128x2048xf32>
    %reduce_min3A_256 = arith.constant dense<0x7F800000> : vector<128xf32>
    %reduce_min3A_257 = vector.multi_reduction <minimumf>, %select_n3A_255, %reduce_min3A_256 [1] : vector<128x2048xf32> to vector<128xf32>
    %broadcast_in_dim3A_258 = vector.shape_cast %reduce_min3A_257 : vector<128xf32> to vector<128x1xf32>
    %eq3A_259 = vector.broadcast %broadcast_in_dim3A_258 : vector<128x1xf32> to vector<128x2048xf32>
    %eq3A_260 = arith.cmpf oeq, %select_n3A_255, %eq3A_259 : vector<128x2048xf32>
    %jit3A_261 = arith.constant 2048 : i32
    %broadcast_in_dim3A_262 = vector.broadcast %jit3A_261 : i32 to vector<128x2048xi32>
    %select_n3A_263 = arith.select %eq3A_260, %iota3A, %broadcast_in_dim3A_262 : vector<128x2048xi1>, vector<128x2048xi32>
    %reduce_min3A_264 = arith.constant dense<2147483647> : vector<128xi32>
    %reduce_min3A_265 = vector.multi_reduction <minsi>, %select_n3A_263, %reduce_min3A_264 [1] : vector<128x2048xi32> to vector<128xi32>
    %broadcast_in_dim3A_266 = vector.shape_cast %reduce_min3A_265 : vector<128xi32> to vector<128x1xi32>
    %eq3A_267 = vector.broadcast %broadcast_in_dim3A_266 : vector<128x1xi32> to vector<128x2048xi32>
    %eq3A_268 = arith.cmpi eq, %iota3A, %eq3A_267 : vector<128x2048xi32>
    %jit3A_269 = arith.constant 0x7F800000 : f32
    %broadcast_in_dim3A_270 = vector.broadcast %jit3A_269 : f32 to vector<128x2048xf32>
    %select_n3A_271 = arith.select %eq3A_268, %broadcast_in_dim3A_270, %select_n3A_255 : vector<128x2048xi1>, vector<128x2048xf32>
    %reduce_min3A_272 = arith.constant dense<0x7F800000> : vector<128xf32>
    %reduce_min3A_273 = vector.multi_reduction <minimumf>, %select_n3A_271, %reduce_min3A_272 [1] : vector<128x2048xf32> to vector<128xf32>
    %broadcast_in_dim3A_274 = vector.shape_cast %reduce_min3A_273 : vector<128xf32> to vector<128x1xf32>
    %eq3A_275 = vector.broadcast %broadcast_in_dim3A_274 : vector<128x1xf32> to vector<128x2048xf32>
    %eq3A_276 = arith.cmpf oeq, %select_n3A_271, %eq3A_275 : vector<128x2048xf32>
    %jit3A_277 = arith.constant 2048 : i32
    %broadcast_in_dim3A_278 = vector.broadcast %jit3A_277 : i32 to vector<128x2048xi32>
    %select_n3A_279 = arith.select %eq3A_276, %iota3A, %broadcast_in_dim3A_278 : vector<128x2048xi1>, vector<128x2048xi32>
    %reduce_min3A_280 = arith.constant dense<2147483647> : vector<128xi32>
    %reduce_min3A_281 = vector.multi_reduction <minsi>, %select_n3A_279, %reduce_min3A_280 [1] : vector<128x2048xi32> to vector<128xi32>
    %broadcast_in_dim3A_282 = vector.shape_cast %reduce_min3A_281 : vector<128xi32> to vector<128x1xi32>
    %eq3A_283 = vector.broadcast %broadcast_in_dim3A_282 : vector<128x1xi32> to vector<128x2048xi32>
    %eq3A_284 = arith.cmpi eq, %iota3A, %eq3A_283 : vector<128x2048xi32>
    %jit3A_285 = arith.constant 0x7F800000 : f32
    %broadcast_in_dim3A_286 = vector.broadcast %jit3A_285 : f32 to vector<128x2048xf32>
    %select_n3A_287 = arith.select %eq3A_284, %broadcast_in_dim3A_286, %select_n3A_271 : vector<128x2048xi1>, vector<128x2048xf32>
    %reduce_min3A_288 = arith.constant dense<0x7F800000> : vector<128xf32>
    %reduce_min3A_289 = vector.multi_reduction <minimumf>, %select_n3A_287, %reduce_min3A_288 [1] : vector<128x2048xf32> to vector<128xf32>
    %broadcast_in_dim3A_290 = vector.shape_cast %reduce_min3A_289 : vector<128xf32> to vector<128x1xf32>
    %eq3A_291 = vector.broadcast %broadcast_in_dim3A_290 : vector<128x1xf32> to vector<128x2048xf32>
    %eq3A_292 = arith.cmpf oeq, %select_n3A_287, %eq3A_291 : vector<128x2048xf32>
    %jit3A_293 = arith.constant 2048 : i32
    %broadcast_in_dim3A_294 = vector.broadcast %jit3A_293 : i32 to vector<128x2048xi32>
    %select_n3A_295 = arith.select %eq3A_292, %iota3A, %broadcast_in_dim3A_294 : vector<128x2048xi1>, vector<128x2048xi32>
    %reduce_min3A_296 = arith.constant dense<2147483647> : vector<128xi32>
    %reduce_min3A_297 = vector.multi_reduction <minsi>, %select_n3A_295, %reduce_min3A_296 [1] : vector<128x2048xi32> to vector<128xi32>
    %broadcast_in_dim3A_298 = vector.shape_cast %reduce_min3A_297 : vector<128xi32> to vector<128x1xi32>
    %eq3A_299 = vector.broadcast %broadcast_in_dim3A_298 : vector<128x1xi32> to vector<128x2048xi32>
    %eq3A_300 = arith.cmpi eq, %iota3A, %eq3A_299 : vector<128x2048xi32>
    %jit3A_301 = arith.constant 0x7F800000 : f32
    %broadcast_in_dim3A_302 = vector.broadcast %jit3A_301 : f32 to vector<128x2048xf32>
    %select_n3A_303 = arith.select %eq3A_300, %broadcast_in_dim3A_302, %select_n3A_287 : vector<128x2048xi1>, vector<128x2048xf32>
    %reduce_min3A_304 = arith.constant dense<0x7F800000> : vector<128xf32>
    %reduce_min3A_305 = vector.multi_reduction <minimumf>, %select_n3A_303, %reduce_min3A_304 [1] : vector<128x2048xf32> to vector<128xf32>
    %broadcast_in_dim3A_306 = vector.shape_cast %reduce_min3A_305 : vector<128xf32> to vector<128x1xf32>
    %eq3A_307 = vector.broadcast %broadcast_in_dim3A_306 : vector<128x1xf32> to vector<128x2048xf32>
    %eq3A_308 = arith.cmpf oeq, %select_n3A_303, %eq3A_307 : vector<128x2048xf32>
    %jit3A_309 = arith.constant 2048 : i32
    %broadcast_in_dim3A_310 = vector.broadcast %jit3A_309 : i32 to vector<128x2048xi32>
    %select_n3A_311 = arith.select %eq3A_308, %iota3A, %broadcast_in_dim3A_310 : vector<128x2048xi1>, vector<128x2048xi32>
    %reduce_min3A_312 = arith.constant dense<2147483647> : vector<128xi32>
    %reduce_min3A_313 = vector.multi_reduction <minsi>, %select_n3A_311, %reduce_min3A_312 [1] : vector<128x2048xi32> to vector<128xi32>
    %broadcast_in_dim3A_314 = vector.shape_cast %reduce_min3A_313 : vector<128xi32> to vector<128x1xi32>
    %eq3A_315 = vector.broadcast %broadcast_in_dim3A_314 : vector<128x1xi32> to vector<128x2048xi32>
    %eq3A_316 = arith.cmpi eq, %iota3A, %eq3A_315 : vector<128x2048xi32>
    %jit3A_317 = arith.constant 0x7F800000 : f32
    %broadcast_in_dim3A_318 = vector.broadcast %jit3A_317 : f32 to vector<128x2048xf32>
    %select_n3A_319 = arith.select %eq3A_316, %broadcast_in_dim3A_318, %select_n3A_303 : vector<128x2048xi1>, vector<128x2048xf32>
    %reduce_min3A_320 = arith.constant dense<0x7F800000> : vector<128xf32>
    %reduce_min3A_321 = vector.multi_reduction <minimumf>, %select_n3A_319, %reduce_min3A_320 [1] : vector<128x2048xf32> to vector<128xf32>
    %broadcast_in_dim3A_322 = vector.shape_cast %reduce_min3A_321 : vector<128xf32> to vector<128x1xf32>
    %eq3A_323 = vector.broadcast %broadcast_in_dim3A_322 : vector<128x1xf32> to vector<128x2048xf32>
    %eq3A_324 = arith.cmpf oeq, %select_n3A_319, %eq3A_323 : vector<128x2048xf32>
    %jit3A_325 = arith.constant 2048 : i32
    %broadcast_in_dim3A_326 = vector.broadcast %jit3A_325 : i32 to vector<128x2048xi32>
    %select_n3A_327 = arith.select %eq3A_324, %iota3A, %broadcast_in_dim3A_326 : vector<128x2048xi1>, vector<128x2048xi32>
    %reduce_min3A_328 = arith.constant dense<2147483647> : vector<128xi32>
    %reduce_min3A_329 = vector.multi_reduction <minsi>, %select_n3A_327, %reduce_min3A_328 [1] : vector<128x2048xi32> to vector<128xi32>
    %broadcast_in_dim3A_330 = vector.shape_cast %reduce_min3A_329 : vector<128xi32> to vector<128x1xi32>
    %eq3A_331 = vector.broadcast %broadcast_in_dim3A_330 : vector<128x1xi32> to vector<128x2048xi32>
    %eq3A_332 = arith.cmpi eq, %iota3A, %eq3A_331 : vector<128x2048xi32>
    %jit3A_333 = arith.constant 0x7F800000 : f32
    %broadcast_in_dim3A_334 = vector.broadcast %jit3A_333 : f32 to vector<128x2048xf32>
    %select_n3A_335 = arith.select %eq3A_332, %broadcast_in_dim3A_334, %select_n3A_319 : vector<128x2048xi1>, vector<128x2048xf32>
    %reduce_min3A_336 = arith.constant dense<0x7F800000> : vector<128xf32>
    %reduce_min3A_337 = vector.multi_reduction <minimumf>, %select_n3A_335, %reduce_min3A_336 [1] : vector<128x2048xf32> to vector<128xf32>
    %broadcast_in_dim3A_338 = vector.shape_cast %reduce_min3A_337 : vector<128xf32> to vector<128x1xf32>
    %eq3A_339 = vector.broadcast %broadcast_in_dim3A_338 : vector<128x1xf32> to vector<128x2048xf32>
    %eq3A_340 = arith.cmpf oeq, %select_n3A_335, %eq3A_339 : vector<128x2048xf32>
    %jit3A_341 = arith.constant 2048 : i32
    %broadcast_in_dim3A_342 = vector.broadcast %jit3A_341 : i32 to vector<128x2048xi32>
    %select_n3A_343 = arith.select %eq3A_340, %iota3A, %broadcast_in_dim3A_342 : vector<128x2048xi1>, vector<128x2048xi32>
    %reduce_min3A_344 = arith.constant dense<2147483647> : vector<128xi32>
    %reduce_min3A_345 = vector.multi_reduction <minsi>, %select_n3A_343, %reduce_min3A_344 [1] : vector<128x2048xi32> to vector<128xi32>
    %broadcast_in_dim3A_346 = vector.shape_cast %reduce_min3A_345 : vector<128xi32> to vector<128x1xi32>
    %eq3A_347 = vector.broadcast %broadcast_in_dim3A_346 : vector<128x1xi32> to vector<128x2048xi32>
    %eq3A_348 = arith.cmpi eq, %iota3A, %eq3A_347 : vector<128x2048xi32>
    %jit3A_349 = arith.constant 0x7F800000 : f32
    %broadcast_in_dim3A_350 = vector.broadcast %jit3A_349 : f32 to vector<128x2048xf32>
    %select_n3A_351 = arith.select %eq3A_348, %broadcast_in_dim3A_350, %select_n3A_335 : vector<128x2048xi1>, vector<128x2048xf32>
    %reduce_min3A_352 = arith.constant dense<0x7F800000> : vector<128xf32>
    %reduce_min3A_353 = vector.multi_reduction <minimumf>, %select_n3A_351, %reduce_min3A_352 [1] : vector<128x2048xf32> to vector<128xf32>
    %broadcast_in_dim3A_354 = vector.shape_cast %reduce_min3A_353 : vector<128xf32> to vector<128x1xf32>
    %eq3A_355 = vector.broadcast %broadcast_in_dim3A_354 : vector<128x1xf32> to vector<128x2048xf32>
    %eq3A_356 = arith.cmpf oeq, %select_n3A_351, %eq3A_355 : vector<128x2048xf32>
    %jit3A_357 = arith.constant 2048 : i32
    %broadcast_in_dim3A_358 = vector.broadcast %jit3A_357 : i32 to vector<128x2048xi32>
    %select_n3A_359 = arith.select %eq3A_356, %iota3A, %broadcast_in_dim3A_358 : vector<128x2048xi1>, vector<128x2048xi32>
    %reduce_min3A_360 = arith.constant dense<2147483647> : vector<128xi32>
    %reduce_min3A_361 = vector.multi_reduction <minsi>, %select_n3A_359, %reduce_min3A_360 [1] : vector<128x2048xi32> to vector<128xi32>
    %broadcast_in_dim3A_362 = vector.shape_cast %reduce_min3A_361 : vector<128xi32> to vector<128x1xi32>
    %eq3A_363 = vector.broadcast %broadcast_in_dim3A_362 : vector<128x1xi32> to vector<128x2048xi32>
    %eq3A_364 = arith.cmpi eq, %iota3A, %eq3A_363 : vector<128x2048xi32>
    %jit3A_365 = arith.constant 0x7F800000 : f32
    %broadcast_in_dim3A_366 = vector.broadcast %jit3A_365 : f32 to vector<128x2048xf32>
    %select_n3A_367 = arith.select %eq3A_364, %broadcast_in_dim3A_366, %select_n3A_351 : vector<128x2048xi1>, vector<128x2048xf32>
    %reduce_min3A_368 = arith.constant dense<0x7F800000> : vector<128xf32>
    %reduce_min3A_369 = vector.multi_reduction <minimumf>, %select_n3A_367, %reduce_min3A_368 [1] : vector<128x2048xf32> to vector<128xf32>
    %broadcast_in_dim3A_370 = vector.shape_cast %reduce_min3A_369 : vector<128xf32> to vector<128x1xf32>
    %eq3A_371 = vector.broadcast %broadcast_in_dim3A_370 : vector<128x1xf32> to vector<128x2048xf32>
    %eq3A_372 = arith.cmpf oeq, %select_n3A_367, %eq3A_371 : vector<128x2048xf32>
    %jit3A_373 = arith.constant 2048 : i32
    %broadcast_in_dim3A_374 = vector.broadcast %jit3A_373 : i32 to vector<128x2048xi32>
    %select_n3A_375 = arith.select %eq3A_372, %iota3A, %broadcast_in_dim3A_374 : vector<128x2048xi1>, vector<128x2048xi32>
    %reduce_min3A_376 = arith.constant dense<2147483647> : vector<128xi32>
    %reduce_min3A_377 = vector.multi_reduction <minsi>, %select_n3A_375, %reduce_min3A_376 [1] : vector<128x2048xi32> to vector<128xi32>
    %broadcast_in_dim3A_378 = vector.shape_cast %reduce_min3A_377 : vector<128xi32> to vector<128x1xi32>
    %eq3A_379 = vector.broadcast %broadcast_in_dim3A_378 : vector<128x1xi32> to vector<128x2048xi32>
    %eq3A_380 = arith.cmpi eq, %iota3A, %eq3A_379 : vector<128x2048xi32>
    %jit3A_381 = arith.constant 0x7F800000 : f32
    %broadcast_in_dim3A_382 = vector.broadcast %jit3A_381 : f32 to vector<128x2048xf32>
    %select_n3A_383 = arith.select %eq3A_380, %broadcast_in_dim3A_382, %select_n3A_367 : vector<128x2048xi1>, vector<128x2048xf32>
    %reduce_min3A_384 = arith.constant dense<0x7F800000> : vector<128xf32>
    %reduce_min3A_385 = vector.multi_reduction <minimumf>, %select_n3A_383, %reduce_min3A_384 [1] : vector<128x2048xf32> to vector<128xf32>
    %broadcast_in_dim3A_386 = vector.shape_cast %reduce_min3A_385 : vector<128xf32> to vector<128x1xf32>
    %eq3A_387 = vector.broadcast %broadcast_in_dim3A_386 : vector<128x1xf32> to vector<128x2048xf32>
    %eq3A_388 = arith.cmpf oeq, %select_n3A_383, %eq3A_387 : vector<128x2048xf32>
    %jit3A_389 = arith.constant 2048 : i32
    %broadcast_in_dim3A_390 = vector.broadcast %jit3A_389 : i32 to vector<128x2048xi32>
    %select_n3A_391 = arith.select %eq3A_388, %iota3A, %broadcast_in_dim3A_390 : vector<128x2048xi1>, vector<128x2048xi32>
    %reduce_min3A_392 = arith.constant dense<2147483647> : vector<128xi32>
    %reduce_min3A_393 = vector.multi_reduction <minsi>, %select_n3A_391, %reduce_min3A_392 [1] : vector<128x2048xi32> to vector<128xi32>
    %broadcast_in_dim3A_394 = vector.shape_cast %reduce_min3A_393 : vector<128xi32> to vector<128x1xi32>
    %concatenate3A = tpu.concatenate %broadcast_in_dim3A_26, %broadcast_in_dim3A_42, %broadcast_in_dim3A_58, %broadcast_in_dim3A_74, %broadcast_in_dim3A_90, %broadcast_in_dim3A_106, %broadcast_in_dim3A_122, %broadcast_in_dim3A_138, %broadcast_in_dim3A_154, %broadcast_in_dim3A_170, %broadcast_in_dim3A_186, %broadcast_in_dim3A_202, %broadcast_in_dim3A_218, %broadcast_in_dim3A_234, %broadcast_in_dim3A_250, %broadcast_in_dim3A_266, %broadcast_in_dim3A_282, %broadcast_in_dim3A_298, %broadcast_in_dim3A_314, %broadcast_in_dim3A_330, %broadcast_in_dim3A_346, %broadcast_in_dim3A_362, %broadcast_in_dim3A_378, %broadcast_in_dim3A_394 in 1 : vector<128x1xi32>, vector<128x1xi32>, vector<128x1xi32>, vector<128x1xi32>, vector<128x1xi32>, vector<128x1xi32>, vector<128x1xi32>, vector<128x1xi32>, vector<128x1xi32>, vector<128x1xi32>, vector<128x1xi32>, vector<128x1xi32>, vector<128x1xi32>, vector<128x1xi32>, vector<128x1xi32>, vector<128x1xi32>, vector<128x1xi32>, vector<128x1xi32>, vector<128x1xi32>, vector<128x1xi32>, vector<128x1xi32>, vector<128x1xi32>, vector<128x1xi32>, vector<128x1xi32> -> vector<128x24xi32>
    %mul3A_395 = arith.constant 2048 : i32
    %mul3A_396 = arith.muli %arg0, %mul3A_395 : i32
    %add3A_397 = vector.broadcast %mul3A_396 : i32 to vector<128x24xi32>
    %add3A_398 = arith.addi %concatenate3A, %add3A_397 : vector<128x24xi32>
    %swap3A = arith.constant 0 : index
    %swap3A_399 = arith.constant 0 : index
    %swap3A_400 = arith.constant 0 : index
    %swap3A_401 = vector.load %arg4[%swap3A, %swap3A_399, %swap3A_400] : memref<1x128x24xi32, #tpu.memory_space<vmem>>, vector<1x128x24xi32>
    %swap3A_402 = vector.shape_cast %swap3A_401 : vector<1x128x24xi32> to vector<128x24xi32>
    %swap3A_403 = vector.shape_cast %add3A_398 : vector<128x24xi32> to vector<1x128x24xi32>
    tpu.vector_store %arg4[%swap3A, %swap3A_399, %swap3A_400], %swap3A_403 {strides = array<i32>} : memref<1x128x24xi32, #tpu.memory_space<vmem>>, vector<1x128x24xi32>,
    return
  }
  func.func @transform_0(%arg0: i32, %arg1: i32) -> (i32, i32, i32) {
    %c0_i32 = arith.constant 0 : i32
    %c0_i32_0 = arith.constant 0 : i32
    return %arg0, %arg1, %c0_i32 : i32, i32, i32
  }
  func.func @transform_1(%arg0: i32, %arg1: i32) -> (i32, i32, i32) {
    %c0_i32 = arith.constant 0 : i32
    %c0_i32_0 = arith.constant 0 : i32
    %c0_i32_1 = arith.constant 0 : i32
    return %arg0, %c0_i32, %c0_i32_0 : i32, i32, i32
  }
  func.func @transform_2(%arg0: i32, %arg1: i32) -> (i32, i32, i32) {
    %c0_i32 = arith.constant 0 : i32
    %c0_i32_0 = arith.constant 0 : i32
    return %arg0, %arg1, %c0_i32 : i32, i32, i32
  }
}

module attributes {stable_mosaic.version = 14 : i64} {
  func.func @_layer_body(%arg0: i32, %arg1: i32, %arg2: memref<1x128x128xf32, #tpu.memory_space<vmem>>, %arg3: memref<1x3072x128xf32, #tpu.memory_space<vmem>>, %arg4: memref<128x8xf32, #tpu.memory_space<vmem>>, %arg5: memref<128x8xf32, #tpu.memory_space<vmem>>, %arg6: memref<128x8xf32, #tpu.memory_space<vmem>>, %arg7: memref<128x8xf32, #tpu.memory_space<vmem>>, %arg8: memref<1x8xf32, #tpu.memory_space<vmem>>, %arg9: memref<1x8xf32, #tpu.memory_space<vmem>>, %arg10: memref<1x8xf32, #tpu.memory_space<vmem>>, %arg11: memref<1x8xf32, #tpu.memory_space<vmem>>, %arg12: memref<1x128x8xf32, #tpu.memory_space<vmem>>, %arg13: memref<1x8xf32, #tpu.memory_space<vmem>>, %arg14: memref<1x8xf32, #tpu.memory_space<vmem>>) attributes {dimension_semantics = [#tpu.dimension_semantics<arbitrary>, #tpu.dimension_semantics<arbitrary>], iteration_bounds = array<i64: 8, 16>, scalar_prefetch = 0 : i64, scratch_operands = 0 : i64, tpu.core_type = #tpu.core_type<tc>, window_params = [{transform_indices = @transform_0, window_bounds = array<i64: 1, 128, 128>}, {transform_indices = @transform_1, window_bounds = array<i64: 1, 3072, 128>}, {pipeline_mode = #tpu.pipeline_mode<synchronous>, transform_indices = @transform_2, window_bounds = array<i64: 128, 8>}, {pipeline_mode = #tpu.pipeline_mode<synchronous>, transform_indices = @transform_3, window_bounds = array<i64: 128, 8>}, {pipeline_mode = #tpu.pipeline_mode<synchronous>, transform_indices = @transform_4, window_bounds = array<i64: 128, 8>}, {pipeline_mode = #tpu.pipeline_mode<synchronous>, transform_indices = @transform_5, window_bounds = array<i64: 128, 8>}, {pipeline_mode = #tpu.pipeline_mode<synchronous>, transform_indices = @transform_6, window_bounds = array<i64: 1, 8>}, {pipeline_mode = #tpu.pipeline_mode<synchronous>, transform_indices = @transform_7, window_bounds = array<i64: 1, 8>}, {pipeline_mode = #tpu.pipeline_mode<synchronous>, transform_indices = @transform_8, window_bounds = array<i64: 1, 8>}, {pipeline_mode = #tpu.pipeline_mode<synchronous>, transform_indices = @transform_9, window_bounds = array<i64: 1, 8>}, {transform_indices = @transform_10, window_bounds = array<i64: 1, 128, 8>}, {pipeline_mode = #tpu.pipeline_mode<synchronous>, transform_indices = @transform_11, window_bounds = array<i64: 1, 8>}, {pipeline_mode = #tpu.pipeline_mode<synchronous>, transform_indices = @transform_12, window_bounds = array<i64: 1, 8>}]} {
    %get3A = arith.constant 0 : index
    %get3A_0 = arith.constant 0 : index
    %get3A_1 = arith.constant 0 : index
    %get3A_2 = vector.load %arg2[%get3A, %get3A_0, %get3A_1] : memref<1x128x128xf32, #tpu.memory_space<vmem>>, vector<1x128x128xf32>
    %get3A_3 = vector.shape_cast %get3A_2 : vector<1x128x128xf32> to vector<128x128xf32>
    %get3A_4 = arith.constant 0 : index
    %get3A_5 = arith.constant 0 : index
    %get3A_6 = arith.constant 0 : index
    %get3A_7 = vector.load %arg3[%get3A_4, %get3A_5, %get3A_6] : memref<1x3072x128xf32, #tpu.memory_space<vmem>>, vector<1x3072x128xf32>
    %get3A_8 = vector.shape_cast %get3A_7 : vector<1x3072x128xf32> to vector<3072x128xf32>
    %get3A_9 = arith.constant 0 : index
    %get3A_10 = arith.constant 0 : index
    %get3A_11 = vector.load %arg4[%get3A_9, %get3A_10] : memref<128x8xf32, #tpu.memory_space<vmem>>, vector<128x8xf32>
    %dot_general3A = arith.constant dense<0.000000e+00> : vector<128x8xf32>
    %dot_general3A_12 = tpu.matmul %get3A_3, %get3A_11, %dot_general3A {dimension_numbers = #tpu.dot_dimension_numbers<[1], [0], [0], [1], [0, 0, 1, 1], [], []>, transpose_lhs_hint = false} : vector<128x128xf32>, vector<128x8xf32>, vector<128x8xf32> -> vector<128x8xf32>
    %get3A_13 = arith.constant 0 : index
    %get3A_14 = arith.constant 0 : index
    %get3A_15 = vector.load %arg8[%get3A_13, %get3A_14] : memref<1x8xf32, #tpu.memory_space<vmem>>, vector<1x8xf32>
    %add3A = vector.broadcast %get3A_15 : vector<1x8xf32> to vector<128x8xf32>
    %add3A_16 = arith.addf %dot_general3A_12, %add3A : vector<128x8xf32>
    %get3A_17 = arith.constant 0 : index
    %get3A_18 = arith.constant 0 : index
    %get3A_19 = vector.load %arg7[%get3A_17, %get3A_18] : memref<128x8xf32, #tpu.memory_space<vmem>>, vector<128x8xf32>
    %dot_general3A_20 = arith.constant dense<0.000000e+00> : vector<128x8xf32>
    %dot_general3A_21 = tpu.matmul %get3A_3, %get3A_19, %dot_general3A_20 {dimension_numbers = #tpu.dot_dimension_numbers<[1], [0], [0], [1], [0, 0, 1, 1], [], []>, transpose_lhs_hint = false} : vector<128x128xf32>, vector<128x8xf32>, vector<128x8xf32> -> vector<128x8xf32>
    %get3A_22 = arith.constant 0 : index
    %get3A_23 = arith.constant 0 : index
    %get3A_24 = vector.load %arg11[%get3A_22, %get3A_23] : memref<1x8xf32, #tpu.memory_space<vmem>>, vector<1x8xf32>
    %add3A_25 = vector.broadcast %get3A_24 : vector<1x8xf32> to vector<128x8xf32>
    %add3A_26 = arith.addf %dot_general3A_21, %add3A_25 : vector<128x8xf32>
    %get3A_27 = arith.constant 0 : index
    %get3A_28 = arith.constant 0 : index
    %get3A_29 = vector.load %arg5[%get3A_27, %get3A_28] : memref<128x8xf32, #tpu.memory_space<vmem>>, vector<128x8xf32>
    %dot_general3A_30 = arith.constant dense<0.000000e+00> : vector<3072x8xf32>
    %dot_general3A_31 = tpu.matmul %get3A_8, %get3A_29, %dot_general3A_30 {dimension_numbers = #tpu.dot_dimension_numbers<[1], [0], [0], [1], [0, 0, 1, 1], [], []>, transpose_lhs_hint = false} : vector<3072x128xf32>, vector<128x8xf32>, vector<3072x8xf32> -> vector<3072x8xf32>
    %get3A_32 = arith.constant 0 : index
    %get3A_33 = arith.constant 0 : index
    %get3A_34 = vector.load %arg9[%get3A_32, %get3A_33] : memref<1x8xf32, #tpu.memory_space<vmem>>, vector<1x8xf32>
    %add3A_35 = vector.broadcast %get3A_34 : vector<1x8xf32> to vector<3072x8xf32>
    %add3A_36 = arith.addf %dot_general3A_31, %add3A_35 : vector<3072x8xf32>
    %get3A_37 = arith.constant 0 : index
    %get3A_38 = arith.constant 0 : index
    %get3A_39 = vector.load %arg6[%get3A_37, %get3A_38] : memref<128x8xf32, #tpu.memory_space<vmem>>, vector<128x8xf32>
    %dot_general3A_40 = arith.constant dense<0.000000e+00> : vector<3072x8xf32>
    %dot_general3A_41 = tpu.matmul %get3A_8, %get3A_39, %dot_general3A_40 {dimension_numbers = #tpu.dot_dimension_numbers<[1], [0], [0], [1], [0, 0, 1, 1], [], []>, transpose_lhs_hint = false} : vector<3072x128xf32>, vector<128x8xf32>, vector<3072x8xf32> -> vector<3072x8xf32>
    %get3A_42 = arith.constant 0 : index
    %get3A_43 = arith.constant 0 : index
    %get3A_44 = vector.load %arg10[%get3A_42, %get3A_43] : memref<1x8xf32, #tpu.memory_space<vmem>>, vector<1x8xf32>
    %add3A_45 = vector.broadcast %get3A_44 : vector<1x8xf32> to vector<3072x8xf32>
    %add3A_46 = arith.addf %dot_general3A_41, %add3A_45 : vector<3072x8xf32>
    %get3A_47 = arith.constant 0 : index
    %get3A_48 = arith.constant 0 : index
    %get3A_49 = vector.load %arg7[%get3A_47, %get3A_48] : memref<128x8xf32, #tpu.memory_space<vmem>>, vector<128x8xf32>
    %dot_general3A_50 = arith.constant dense<0.000000e+00> : vector<3072x8xf32>
    %dot_general3A_51 = tpu.matmul %get3A_8, %get3A_49, %dot_general3A_50 {dimension_numbers = #tpu.dot_dimension_numbers<[1], [0], [0], [1], [0, 0, 1, 1], [], []>, transpose_lhs_hint = false} : vector<3072x128xf32>, vector<128x8xf32>, vector<3072x8xf32> -> vector<3072x8xf32>
    %reshape3A = vector.shape_cast %add3A_36 : vector<3072x8xf32> to vector<128x24x8xf32>
    %reshape3A_52 = vector.shape_cast %add3A_46 : vector<3072x8xf32> to vector<128x24x8xf32>
    %broadcast_in_dim3A = vector.shape_cast %add3A_26 : vector<128x8xf32> to vector<128x1x8xf32>
    %reshape3A_53 = vector.shape_cast %dot_general3A_51 : vector<3072x8xf32> to vector<128x24x8xf32>
    %sub3A = vector.broadcast %broadcast_in_dim3A : vector<128x1x8xf32> to vector<128x24x8xf32>
    %sub3A_54 = arith.subf %sub3A, %reshape3A_53 : vector<128x24x8xf32>
    %broadcast_in_dim3A_55 = vector.shape_cast %add3A_16 : vector<128x8xf32> to vector<128x1x8xf32>
    %sub3A_56 = vector.broadcast %broadcast_in_dim3A_55 : vector<128x1x8xf32> to vector<128x24x8xf32>
    %sub3A_57 = arith.subf %sub3A_56, %reshape3A : vector<128x24x8xf32>
    %add3A_58 = arith.addf %sub3A_57, %sub3A_54 : vector<128x24x8xf32>
    %mul3A = arith.constant 0.353553385 : f32
    %mul3A_59 = vector.broadcast %mul3A : f32 to vector<128x24x8xf32>
    %mul3A_60 = arith.mulf %add3A_58, %mul3A_59 : vector<128x24x8xf32>
    %reduce_max3A = arith.constant dense<0xFF800000> : vector<128x8xf32>
    %reduce_max3A_61 = vector.multi_reduction <maximumf>, %mul3A_60, %reduce_max3A [1] : vector<128x24x8xf32> to vector<128x8xf32>
    %broadcast_in_dim3A_62 = vector.shape_cast %reduce_max3A_61 : vector<128x8xf32> to vector<128x1x8xf32>
    %sub3A_63 = vector.broadcast %broadcast_in_dim3A_62 : vector<128x1x8xf32> to vector<128x24x8xf32>
    %sub3A_64 = arith.subf %mul3A_60, %sub3A_63 : vector<128x24x8xf32>
    %exp3A = math.exp %sub3A_64 : vector<128x24x8xf32>
    %reduce_sum3A = arith.constant dense<0.000000e+00> : vector<128x8xf32>
    %reduce_sum3A_65 = vector.multi_reduction <add>, %exp3A, %reduce_sum3A [1] : vector<128x24x8xf32> to vector<128x8xf32>
    %add3A_66 = arith.addf %reshape3A_52, %sub3A_54 : vector<128x24x8xf32>
    %mul3A_67 = arith.mulf %exp3A, %add3A_66 : vector<128x24x8xf32>
    %reduce_sum3A_68 = arith.constant dense<0.000000e+00> : vector<128x8xf32>
    %reduce_sum3A_69 = vector.multi_reduction <add>, %mul3A_67, %reduce_sum3A_68 [1] : vector<128x24x8xf32> to vector<128x8xf32>
    %div3A = arith.divf %reduce_sum3A_69, %reduce_sum3A_65 : vector<128x8xf32>
    %swap3A = arith.constant 0 : index
    %swap3A_70 = arith.constant 0 : index
    %swap3A_71 = arith.constant 0 : index
    %swap3A_72 = vector.load %arg12[%swap3A, %swap3A_70, %swap3A_71] : memref<1x128x8xf32, #tpu.memory_space<vmem>>, vector<1x128x8xf32>
    %swap3A_73 = vector.shape_cast %swap3A_72 : vector<1x128x8xf32> to vector<128x8xf32>
    %swap3A_74 = vector.shape_cast %div3A : vector<128x8xf32> to vector<1x128x8xf32>
    tpu.vector_store %arg12[%swap3A, %swap3A_70, %swap3A_71], %swap3A_74 {strides = array<i32>} : memref<1x128x8xf32, #tpu.memory_space<vmem>>, vector<1x128x8xf32>,
    %eq3A = arith.constant 0 : i32
    %eq3A_75 = arith.cmpi eq, %arg0, %eq3A : i32
    %eq3A_76 = arith.constant 0 : i32
    %eq3A_77 = arith.cmpi eq, %arg1, %eq3A_76 : i32
    %and3A = arith.andi %eq3A_75, %eq3A_77 : i1
    %convert_element_type3A = arith.extui %and3A : i1 to i32
    %cond3A = arith.constant 0 : i32
    %cond3A_78 = arith.cmpi ne, %convert_element_type3A, %cond3A : i32
    scf.if %cond3A_78 {
      %broadcast_in_dim3A_100 = arith.constant 0.000000e+00 : f32
      %broadcast_in_dim3A_101 = vector.broadcast %broadcast_in_dim3A_100 : f32 to vector<1x8xf32>
      %swap3A_102 = arith.constant 0 : index
      %swap3A_103 = arith.constant 0 : index
      %swap3A_104 = vector.load %arg13[%swap3A_102, %swap3A_103] : memref<1x8xf32, #tpu.memory_space<vmem>>, vector<1x8xf32>
      tpu.vector_store %arg13[%swap3A_102, %swap3A_103], %broadcast_in_dim3A_101 {strides = array<i32>} : memref<1x8xf32, #tpu.memory_space<vmem>>, vector<1x8xf32>,
      %broadcast_in_dim3A_105 = arith.constant 0.000000e+00 : f32
      %broadcast_in_dim3A_106 = vector.broadcast %broadcast_in_dim3A_105 : f32 to vector<1x8xf32>
      %swap3A_107 = arith.constant 0 : index
      %swap3A_108 = arith.constant 0 : index
      %swap3A_109 = vector.load %arg14[%swap3A_107, %swap3A_108] : memref<1x8xf32, #tpu.memory_space<vmem>>, vector<1x8xf32>
      tpu.vector_store %arg14[%swap3A_107, %swap3A_108], %broadcast_in_dim3A_106 {strides = array<i32>} : memref<1x8xf32, #tpu.memory_space<vmem>>, vector<1x8xf32>,
    } else {
    }
    %get3A_79 = arith.constant 0 : index
    %get3A_80 = arith.constant 0 : index
    %get3A_81 = vector.load %arg13[%get3A_79, %get3A_80] : memref<1x8xf32, #tpu.memory_space<vmem>>, vector<1x8xf32>
    %reduce_sum3A_82 = arith.constant dense<0.000000e+00> : vector<8xf32>
    %reduce_sum3A_83 = vector.multi_reduction <add>, %div3A, %reduce_sum3A_82 [0] : vector<128x8xf32> to vector<8xf32>
    %broadcast_in_dim3A_84 = vector.shape_cast %reduce_sum3A_83 : vector<8xf32> to vector<1x8xf32>
    %add3A_85 = arith.addf %get3A_81, %broadcast_in_dim3A_84 : vector<1x8xf32>
    %swap3A_86 = arith.constant 0 : index
    %swap3A_87 = arith.constant 0 : index
    %swap3A_88 = vector.load %arg13[%swap3A_86, %swap3A_87] : memref<1x8xf32, #tpu.memory_space<vmem>>, vector<1x8xf32>
    tpu.vector_store %arg13[%swap3A_86, %swap3A_87], %add3A_85 {strides = array<i32>} : memref<1x8xf32, #tpu.memory_space<vmem>>, vector<1x8xf32>,
    %get3A_89 = arith.constant 0 : index
    %get3A_90 = arith.constant 0 : index
    %get3A_91 = vector.load %arg14[%get3A_89, %get3A_90] : memref<1x8xf32, #tpu.memory_space<vmem>>, vector<1x8xf32>
    %mul3A_92 = arith.mulf %div3A, %div3A : vector<128x8xf32>
    %reduce_sum3A_93 = arith.constant dense<0.000000e+00> : vector<8xf32>
    %reduce_sum3A_94 = vector.multi_reduction <add>, %mul3A_92, %reduce_sum3A_93 [0] : vector<128x8xf32> to vector<8xf32>
    %broadcast_in_dim3A_95 = vector.shape_cast %reduce_sum3A_94 : vector<8xf32> to vector<1x8xf32>
    %add3A_96 = arith.addf %get3A_91, %broadcast_in_dim3A_95 : vector<1x8xf32>
    %swap3A_97 = arith.constant 0 : index
    %swap3A_98 = arith.constant 0 : index
    %swap3A_99 = vector.load %arg14[%swap3A_97, %swap3A_98] : memref<1x8xf32, #tpu.memory_space<vmem>>, vector<1x8xf32>
    tpu.vector_store %arg14[%swap3A_97, %swap3A_98], %add3A_96 {strides = array<i32>} : memref<1x8xf32, #tpu.memory_space<vmem>>, vector<1x8xf32>,
    return
  }
  func.func @transform_0(%arg0: i32, %arg1: i32) -> (i32, i32, i32) {
    %c0_i32 = arith.constant 0 : i32
    %c0_i32_0 = arith.constant 0 : i32
    return %arg0, %arg1, %c0_i32 : i32, i32, i32
  }
  func.func @transform_1(%arg0: i32, %arg1: i32) -> (i32, i32, i32) {
    %c0_i32 = arith.constant 0 : i32
    %c0_i32_0 = arith.constant 0 : i32
    return %arg0, %arg1, %c0_i32 : i32, i32, i32
  }
  func.func @transform_2(%arg0: i32, %arg1: i32) -> (i32, i32) {
    %c0_i32 = arith.constant 0 : i32
    %c0_i32_0 = arith.constant 0 : i32
    %c0_i32_1 = arith.constant 0 : i32
    return %c0_i32, %c0_i32_0 : i32, i32
  }
  func.func @transform_3(%arg0: i32, %arg1: i32) -> (i32, i32) {
    %c0_i32 = arith.constant 0 : i32
    %c0_i32_0 = arith.constant 0 : i32
    %c0_i32_1 = arith.constant 0 : i32
    return %c0_i32, %c0_i32_0 : i32, i32
  }
  func.func @transform_4(%arg0: i32, %arg1: i32) -> (i32, i32) {
    %c0_i32 = arith.constant 0 : i32
    %c0_i32_0 = arith.constant 0 : i32
    %c0_i32_1 = arith.constant 0 : i32
    return %c0_i32, %c0_i32_0 : i32, i32
  }
  func.func @transform_5(%arg0: i32, %arg1: i32) -> (i32, i32) {
    %c0_i32 = arith.constant 0 : i32
    %c0_i32_0 = arith.constant 0 : i32
    %c0_i32_1 = arith.constant 0 : i32
    return %c0_i32, %c0_i32_0 : i32, i32
  }
  func.func @transform_6(%arg0: i32, %arg1: i32) -> (i32, i32) {
    %c0_i32 = arith.constant 0 : i32
    %c0_i32_0 = arith.constant 0 : i32
    %c0_i32_1 = arith.constant 0 : i32
    return %c0_i32, %c0_i32_0 : i32, i32
  }
  func.func @transform_7(%arg0: i32, %arg1: i32) -> (i32, i32) {
    %c0_i32 = arith.constant 0 : i32
    %c0_i32_0 = arith.constant 0 : i32
    %c0_i32_1 = arith.constant 0 : i32
    return %c0_i32, %c0_i32_0 : i32, i32
  }
  func.func @transform_8(%arg0: i32, %arg1: i32) -> (i32, i32) {
    %c0_i32 = arith.constant 0 : i32
    %c0_i32_0 = arith.constant 0 : i32
    %c0_i32_1 = arith.constant 0 : i32
    return %c0_i32, %c0_i32_0 : i32, i32
  }
  func.func @transform_9(%arg0: i32, %arg1: i32) -> (i32, i32) {
    %c0_i32 = arith.constant 0 : i32
    %c0_i32_0 = arith.constant 0 : i32
    %c0_i32_1 = arith.constant 0 : i32
    return %c0_i32, %c0_i32_0 : i32, i32
  }
  func.func @transform_10(%arg0: i32, %arg1: i32) -> (i32, i32, i32) {
    %c0_i32 = arith.constant 0 : i32
    %c0_i32_0 = arith.constant 0 : i32
    return %arg0, %arg1, %c0_i32 : i32, i32, i32
  }
  func.func @transform_11(%arg0: i32, %arg1: i32) -> (i32, i32) {
    %c0_i32 = arith.constant 0 : i32
    %c0_i32_0 = arith.constant 0 : i32
    %c0_i32_1 = arith.constant 0 : i32
    return %c0_i32, %c0_i32_0 : i32, i32
  }
  func.func @transform_12(%arg0: i32, %arg1: i32) -> (i32, i32) {
    %c0_i32 = arith.constant 0 : i32
    %c0_i32_0 = arith.constant 0 : i32
    %c0_i32_1 = arith.constant 0 : i32
    return %c0_i32, %c0_i32_0 : i32, i32
  }
}

module attributes {stable_mosaic.version = 14 : i64} {
  func.func @_layer_body(%arg0: i32, %arg1: i32, %arg2: memref<1x128x128xf32, #tpu.memory_space<vmem>>, %arg3: memref<1x3072x128xf32, #tpu.memory_space<vmem>>, %arg4: memref<128x16xf32, #tpu.memory_space<vmem>>, %arg5: memref<128x16xf32, #tpu.memory_space<vmem>>, %arg6: memref<128x16xf32, #tpu.memory_space<vmem>>, %arg7: memref<128x16xf32, #tpu.memory_space<vmem>>, %arg8: memref<1x16xf32, #tpu.memory_space<vmem>>, %arg9: memref<1x16xf32, #tpu.memory_space<vmem>>, %arg10: memref<1x16xf32, #tpu.memory_space<vmem>>, %arg11: memref<1x16xf32, #tpu.memory_space<vmem>>, %arg12: memref<1x128x16xf32, #tpu.memory_space<vmem>>, %arg13: memref<1x16xf32, #tpu.memory_space<vmem>>, %arg14: memref<1x16xf32, #tpu.memory_space<vmem>>) attributes {dimension_semantics = [#tpu.dimension_semantics<arbitrary>, #tpu.dimension_semantics<arbitrary>], iteration_bounds = array<i64: 8, 16>, scalar_prefetch = 0 : i64, scratch_operands = 0 : i64, tpu.core_type = #tpu.core_type<tc>, window_params = [{transform_indices = @transform_0, window_bounds = array<i64: 1, 128, 128>}, {transform_indices = @transform_1, window_bounds = array<i64: 1, 3072, 128>}, {pipeline_mode = #tpu.pipeline_mode<synchronous>, transform_indices = @transform_2, window_bounds = array<i64: 128, 16>}, {pipeline_mode = #tpu.pipeline_mode<synchronous>, transform_indices = @transform_3, window_bounds = array<i64: 128, 16>}, {pipeline_mode = #tpu.pipeline_mode<synchronous>, transform_indices = @transform_4, window_bounds = array<i64: 128, 16>}, {pipeline_mode = #tpu.pipeline_mode<synchronous>, transform_indices = @transform_5, window_bounds = array<i64: 128, 16>}, {pipeline_mode = #tpu.pipeline_mode<synchronous>, transform_indices = @transform_6, window_bounds = array<i64: 1, 16>}, {pipeline_mode = #tpu.pipeline_mode<synchronous>, transform_indices = @transform_7, window_bounds = array<i64: 1, 16>}, {pipeline_mode = #tpu.pipeline_mode<synchronous>, transform_indices = @transform_8, window_bounds = array<i64: 1, 16>}, {pipeline_mode = #tpu.pipeline_mode<synchronous>, transform_indices = @transform_9, window_bounds = array<i64: 1, 16>}, {transform_indices = @transform_10, window_bounds = array<i64: 1, 128, 16>}, {pipeline_mode = #tpu.pipeline_mode<synchronous>, transform_indices = @transform_11, window_bounds = array<i64: 1, 16>}, {pipeline_mode = #tpu.pipeline_mode<synchronous>, transform_indices = @transform_12, window_bounds = array<i64: 1, 16>}]} {
    %get3A = arith.constant 0 : index
    %get3A_0 = arith.constant 0 : index
    %get3A_1 = arith.constant 0 : index
    %get3A_2 = vector.load %arg2[%get3A, %get3A_0, %get3A_1] : memref<1x128x128xf32, #tpu.memory_space<vmem>>, vector<1x128x128xf32>
    %get3A_3 = vector.shape_cast %get3A_2 : vector<1x128x128xf32> to vector<128x128xf32>
    %get3A_4 = arith.constant 0 : index
    %get3A_5 = arith.constant 0 : index
    %get3A_6 = arith.constant 0 : index
    %get3A_7 = vector.load %arg3[%get3A_4, %get3A_5, %get3A_6] : memref<1x3072x128xf32, #tpu.memory_space<vmem>>, vector<1x3072x128xf32>
    %get3A_8 = vector.shape_cast %get3A_7 : vector<1x3072x128xf32> to vector<3072x128xf32>
    %get3A_9 = arith.constant 0 : index
    %get3A_10 = arith.constant 0 : index
    %get3A_11 = vector.load %arg4[%get3A_9, %get3A_10] : memref<128x16xf32, #tpu.memory_space<vmem>>, vector<128x16xf32>
    %dot_general3A = arith.constant dense<0.000000e+00> : vector<128x16xf32>
    %dot_general3A_12 = tpu.matmul %get3A_3, %get3A_11, %dot_general3A {dimension_numbers = #tpu.dot_dimension_numbers<[1], [0], [0], [1], [0, 0, 1, 1], [], []>, transpose_lhs_hint = false} : vector<128x128xf32>, vector<128x16xf32>, vector<128x16xf32> -> vector<128x16xf32>
    %get3A_13 = arith.constant 0 : index
    %get3A_14 = arith.constant 0 : index
    %get3A_15 = vector.load %arg8[%get3A_13, %get3A_14] : memref<1x16xf32, #tpu.memory_space<vmem>>, vector<1x16xf32>
    %add3A = vector.broadcast %get3A_15 : vector<1x16xf32> to vector<128x16xf32>
    %add3A_16 = arith.addf %dot_general3A_12, %add3A : vector<128x16xf32>
    %get3A_17 = arith.constant 0 : index
    %get3A_18 = arith.constant 0 : index
    %get3A_19 = vector.load %arg7[%get3A_17, %get3A_18] : memref<128x16xf32, #tpu.memory_space<vmem>>, vector<128x16xf32>
    %dot_general3A_20 = arith.constant dense<0.000000e+00> : vector<128x16xf32>
    %dot_general3A_21 = tpu.matmul %get3A_3, %get3A_19, %dot_general3A_20 {dimension_numbers = #tpu.dot_dimension_numbers<[1], [0], [0], [1], [0, 0, 1, 1], [], []>, transpose_lhs_hint = false} : vector<128x128xf32>, vector<128x16xf32>, vector<128x16xf32> -> vector<128x16xf32>
    %get3A_22 = arith.constant 0 : index
    %get3A_23 = arith.constant 0 : index
    %get3A_24 = vector.load %arg11[%get3A_22, %get3A_23] : memref<1x16xf32, #tpu.memory_space<vmem>>, vector<1x16xf32>
    %add3A_25 = vector.broadcast %get3A_24 : vector<1x16xf32> to vector<128x16xf32>
    %add3A_26 = arith.addf %dot_general3A_21, %add3A_25 : vector<128x16xf32>
    %get3A_27 = arith.constant 0 : index
    %get3A_28 = arith.constant 0 : index
    %get3A_29 = vector.load %arg5[%get3A_27, %get3A_28] : memref<128x16xf32, #tpu.memory_space<vmem>>, vector<128x16xf32>
    %dot_general3A_30 = arith.constant dense<0.000000e+00> : vector<3072x16xf32>
    %dot_general3A_31 = tpu.matmul %get3A_8, %get3A_29, %dot_general3A_30 {dimension_numbers = #tpu.dot_dimension_numbers<[1], [0], [0], [1], [0, 0, 1, 1], [], []>, transpose_lhs_hint = false} : vector<3072x128xf32>, vector<128x16xf32>, vector<3072x16xf32> -> vector<3072x16xf32>
    %get3A_32 = arith.constant 0 : index
    %get3A_33 = arith.constant 0 : index
    %get3A_34 = vector.load %arg9[%get3A_32, %get3A_33] : memref<1x16xf32, #tpu.memory_space<vmem>>, vector<1x16xf32>
    %add3A_35 = vector.broadcast %get3A_34 : vector<1x16xf32> to vector<3072x16xf32>
    %add3A_36 = arith.addf %dot_general3A_31, %add3A_35 : vector<3072x16xf32>
    %get3A_37 = arith.constant 0 : index
    %get3A_38 = arith.constant 0 : index
    %get3A_39 = vector.load %arg6[%get3A_37, %get3A_38] : memref<128x16xf32, #tpu.memory_space<vmem>>, vector<128x16xf32>
    %dot_general3A_40 = arith.constant dense<0.000000e+00> : vector<3072x16xf32>
    %dot_general3A_41 = tpu.matmul %get3A_8, %get3A_39, %dot_general3A_40 {dimension_numbers = #tpu.dot_dimension_numbers<[1], [0], [0], [1], [0, 0, 1, 1], [], []>, transpose_lhs_hint = false} : vector<3072x128xf32>, vector<128x16xf32>, vector<3072x16xf32> -> vector<3072x16xf32>
    %get3A_42 = arith.constant 0 : index
    %get3A_43 = arith.constant 0 : index
    %get3A_44 = vector.load %arg10[%get3A_42, %get3A_43] : memref<1x16xf32, #tpu.memory_space<vmem>>, vector<1x16xf32>
    %add3A_45 = vector.broadcast %get3A_44 : vector<1x16xf32> to vector<3072x16xf32>
    %add3A_46 = arith.addf %dot_general3A_41, %add3A_45 : vector<3072x16xf32>
    %get3A_47 = arith.constant 0 : index
    %get3A_48 = arith.constant 0 : index
    %get3A_49 = vector.load %arg7[%get3A_47, %get3A_48] : memref<128x16xf32, #tpu.memory_space<vmem>>, vector<128x16xf32>
    %dot_general3A_50 = arith.constant dense<0.000000e+00> : vector<3072x16xf32>
    %dot_general3A_51 = tpu.matmul %get3A_8, %get3A_49, %dot_general3A_50 {dimension_numbers = #tpu.dot_dimension_numbers<[1], [0], [0], [1], [0, 0, 1, 1], [], []>, transpose_lhs_hint = false} : vector<3072x128xf32>, vector<128x16xf32>, vector<3072x16xf32> -> vector<3072x16xf32>
    %reshape3A = vector.shape_cast %add3A_36 : vector<3072x16xf32> to vector<128x24x16xf32>
    %reshape3A_52 = vector.shape_cast %add3A_46 : vector<3072x16xf32> to vector<128x24x16xf32>
    %broadcast_in_dim3A = vector.shape_cast %add3A_26 : vector<128x16xf32> to vector<128x1x16xf32>
    %reshape3A_53 = vector.shape_cast %dot_general3A_51 : vector<3072x16xf32> to vector<128x24x16xf32>
    %sub3A = vector.broadcast %broadcast_in_dim3A : vector<128x1x16xf32> to vector<128x24x16xf32>
    %sub3A_54 = arith.subf %sub3A, %reshape3A_53 : vector<128x24x16xf32>
    %broadcast_in_dim3A_55 = vector.shape_cast %add3A_16 : vector<128x16xf32> to vector<128x1x16xf32>
    %sub3A_56 = vector.broadcast %broadcast_in_dim3A_55 : vector<128x1x16xf32> to vector<128x24x16xf32>
    %sub3A_57 = arith.subf %sub3A_56, %reshape3A : vector<128x24x16xf32>
    %add3A_58 = arith.addf %sub3A_57, %sub3A_54 : vector<128x24x16xf32>
    %mul3A = arith.constant 2.500000e-01 : f32
    %mul3A_59 = vector.broadcast %mul3A : f32 to vector<128x24x16xf32>
    %mul3A_60 = arith.mulf %add3A_58, %mul3A_59 : vector<128x24x16xf32>
    %reduce_max3A = arith.constant dense<0xFF800000> : vector<128x16xf32>
    %reduce_max3A_61 = vector.multi_reduction <maximumf>, %mul3A_60, %reduce_max3A [1] : vector<128x24x16xf32> to vector<128x16xf32>
    %broadcast_in_dim3A_62 = vector.shape_cast %reduce_max3A_61 : vector<128x16xf32> to vector<128x1x16xf32>
    %sub3A_63 = vector.broadcast %broadcast_in_dim3A_62 : vector<128x1x16xf32> to vector<128x24x16xf32>
    %sub3A_64 = arith.subf %mul3A_60, %sub3A_63 : vector<128x24x16xf32>
    %exp3A = math.exp %sub3A_64 : vector<128x24x16xf32>
    %reduce_sum3A = arith.constant dense<0.000000e+00> : vector<128x16xf32>
    %reduce_sum3A_65 = vector.multi_reduction <add>, %exp3A, %reduce_sum3A [1] : vector<128x24x16xf32> to vector<128x16xf32>
    %add3A_66 = arith.addf %reshape3A_52, %sub3A_54 : vector<128x24x16xf32>
    %mul3A_67 = arith.mulf %exp3A, %add3A_66 : vector<128x24x16xf32>
    %reduce_sum3A_68 = arith.constant dense<0.000000e+00> : vector<128x16xf32>
    %reduce_sum3A_69 = vector.multi_reduction <add>, %mul3A_67, %reduce_sum3A_68 [1] : vector<128x24x16xf32> to vector<128x16xf32>
    %div3A = arith.divf %reduce_sum3A_69, %reduce_sum3A_65 : vector<128x16xf32>
    %swap3A = arith.constant 0 : index
    %swap3A_70 = arith.constant 0 : index
    %swap3A_71 = arith.constant 0 : index
    %swap3A_72 = vector.load %arg12[%swap3A, %swap3A_70, %swap3A_71] : memref<1x128x16xf32, #tpu.memory_space<vmem>>, vector<1x128x16xf32>
    %swap3A_73 = vector.shape_cast %swap3A_72 : vector<1x128x16xf32> to vector<128x16xf32>
    %swap3A_74 = vector.shape_cast %div3A : vector<128x16xf32> to vector<1x128x16xf32>
    tpu.vector_store %arg12[%swap3A, %swap3A_70, %swap3A_71], %swap3A_74 {strides = array<i32>} : memref<1x128x16xf32, #tpu.memory_space<vmem>>, vector<1x128x16xf32>,
    %eq3A = arith.constant 0 : i32
    %eq3A_75 = arith.cmpi eq, %arg0, %eq3A : i32
    %eq3A_76 = arith.constant 0 : i32
    %eq3A_77 = arith.cmpi eq, %arg1, %eq3A_76 : i32
    %and3A = arith.andi %eq3A_75, %eq3A_77 : i1
    %convert_element_type3A = arith.extui %and3A : i1 to i32
    %cond3A = arith.constant 0 : i32
    %cond3A_78 = arith.cmpi ne, %convert_element_type3A, %cond3A : i32
    scf.if %cond3A_78 {
      %broadcast_in_dim3A_100 = arith.constant 0.000000e+00 : f32
      %broadcast_in_dim3A_101 = vector.broadcast %broadcast_in_dim3A_100 : f32 to vector<1x16xf32>
      %swap3A_102 = arith.constant 0 : index
      %swap3A_103 = arith.constant 0 : index
      %swap3A_104 = vector.load %arg13[%swap3A_102, %swap3A_103] : memref<1x16xf32, #tpu.memory_space<vmem>>, vector<1x16xf32>
      tpu.vector_store %arg13[%swap3A_102, %swap3A_103], %broadcast_in_dim3A_101 {strides = array<i32>} : memref<1x16xf32, #tpu.memory_space<vmem>>, vector<1x16xf32>,
      %broadcast_in_dim3A_105 = arith.constant 0.000000e+00 : f32
      %broadcast_in_dim3A_106 = vector.broadcast %broadcast_in_dim3A_105 : f32 to vector<1x16xf32>
      %swap3A_107 = arith.constant 0 : index
      %swap3A_108 = arith.constant 0 : index
      %swap3A_109 = vector.load %arg14[%swap3A_107, %swap3A_108] : memref<1x16xf32, #tpu.memory_space<vmem>>, vector<1x16xf32>
      tpu.vector_store %arg14[%swap3A_107, %swap3A_108], %broadcast_in_dim3A_106 {strides = array<i32>} : memref<1x16xf32, #tpu.memory_space<vmem>>, vector<1x16xf32>,
    } else {
    }
    %get3A_79 = arith.constant 0 : index
    %get3A_80 = arith.constant 0 : index
    %get3A_81 = vector.load %arg13[%get3A_79, %get3A_80] : memref<1x16xf32, #tpu.memory_space<vmem>>, vector<1x16xf32>
    %reduce_sum3A_82 = arith.constant dense<0.000000e+00> : vector<16xf32>
    %reduce_sum3A_83 = vector.multi_reduction <add>, %div3A, %reduce_sum3A_82 [0] : vector<128x16xf32> to vector<16xf32>
    %broadcast_in_dim3A_84 = vector.shape_cast %reduce_sum3A_83 : vector<16xf32> to vector<1x16xf32>
    %add3A_85 = arith.addf %get3A_81, %broadcast_in_dim3A_84 : vector<1x16xf32>
    %swap3A_86 = arith.constant 0 : index
    %swap3A_87 = arith.constant 0 : index
    %swap3A_88 = vector.load %arg13[%swap3A_86, %swap3A_87] : memref<1x16xf32, #tpu.memory_space<vmem>>, vector<1x16xf32>
    tpu.vector_store %arg13[%swap3A_86, %swap3A_87], %add3A_85 {strides = array<i32>} : memref<1x16xf32, #tpu.memory_space<vmem>>, vector<1x16xf32>,
    %get3A_89 = arith.constant 0 : index
    %get3A_90 = arith.constant 0 : index
    %get3A_91 = vector.load %arg14[%get3A_89, %get3A_90] : memref<1x16xf32, #tpu.memory_space<vmem>>, vector<1x16xf32>
    %mul3A_92 = arith.mulf %div3A, %div3A : vector<128x16xf32>
    %reduce_sum3A_93 = arith.constant dense<0.000000e+00> : vector<16xf32>
    %reduce_sum3A_94 = vector.multi_reduction <add>, %mul3A_92, %reduce_sum3A_93 [0] : vector<128x16xf32> to vector<16xf32>
    %broadcast_in_dim3A_95 = vector.shape_cast %reduce_sum3A_94 : vector<16xf32> to vector<1x16xf32>
    %add3A_96 = arith.addf %get3A_91, %broadcast_in_dim3A_95 : vector<1x16xf32>
    %swap3A_97 = arith.constant 0 : index
    %swap3A_98 = arith.constant 0 : index
    %swap3A_99 = vector.load %arg14[%swap3A_97, %swap3A_98] : memref<1x16xf32, #tpu.memory_space<vmem>>, vector<1x16xf32>
    tpu.vector_store %arg14[%swap3A_97, %swap3A_98], %add3A_96 {strides = array<i32>} : memref<1x16xf32, #tpu.memory_space<vmem>>, vector<1x16xf32>,
    return
  }
  func.func @transform_0(%arg0: i32, %arg1: i32) -> (i32, i32, i32) {
    %c0_i32 = arith.constant 0 : i32
    %c0_i32_0 = arith.constant 0 : i32
    return %arg0, %arg1, %c0_i32 : i32, i32, i32
  }
  func.func @transform_1(%arg0: i32, %arg1: i32) -> (i32, i32, i32) {
    %c0_i32 = arith.constant 0 : i32
    %c0_i32_0 = arith.constant 0 : i32
    return %arg0, %arg1, %c0_i32 : i32, i32, i32
  }
  func.func @transform_2(%arg0: i32, %arg1: i32) -> (i32, i32) {
    %c0_i32 = arith.constant 0 : i32
    %c0_i32_0 = arith.constant 0 : i32
    %c0_i32_1 = arith.constant 0 : i32
    return %c0_i32, %c0_i32_0 : i32, i32
  }
  func.func @transform_3(%arg0: i32, %arg1: i32) -> (i32, i32) {
    %c0_i32 = arith.constant 0 : i32
    %c0_i32_0 = arith.constant 0 : i32
    %c0_i32_1 = arith.constant 0 : i32
    return %c0_i32, %c0_i32_0 : i32, i32
  }
  func.func @transform_4(%arg0: i32, %arg1: i32) -> (i32, i32) {
    %c0_i32 = arith.constant 0 : i32
    %c0_i32_0 = arith.constant 0 : i32
    %c0_i32_1 = arith.constant 0 : i32
    return %c0_i32, %c0_i32_0 : i32, i32
  }
  func.func @transform_5(%arg0: i32, %arg1: i32) -> (i32, i32) {
    %c0_i32 = arith.constant 0 : i32
    %c0_i32_0 = arith.constant 0 : i32
    %c0_i32_1 = arith.constant 0 : i32
    return %c0_i32, %c0_i32_0 : i32, i32
  }
  func.func @transform_6(%arg0: i32, %arg1: i32) -> (i32, i32) {
    %c0_i32 = arith.constant 0 : i32
    %c0_i32_0 = arith.constant 0 : i32
    %c0_i32_1 = arith.constant 0 : i32
    return %c0_i32, %c0_i32_0 : i32, i32
  }
  func.func @transform_7(%arg0: i32, %arg1: i32) -> (i32, i32) {
    %c0_i32 = arith.constant 0 : i32
    %c0_i32_0 = arith.constant 0 : i32
    %c0_i32_1 = arith.constant 0 : i32
    return %c0_i32, %c0_i32_0 : i32, i32
  }
  func.func @transform_8(%arg0: i32, %arg1: i32) -> (i32, i32) {
    %c0_i32 = arith.constant 0 : i32
    %c0_i32_0 = arith.constant 0 : i32
    %c0_i32_1 = arith.constant 0 : i32
    return %c0_i32, %c0_i32_0 : i32, i32
  }
  func.func @transform_9(%arg0: i32, %arg1: i32) -> (i32, i32) {
    %c0_i32 = arith.constant 0 : i32
    %c0_i32_0 = arith.constant 0 : i32
    %c0_i32_1 = arith.constant 0 : i32
    return %c0_i32, %c0_i32_0 : i32, i32
  }
  func.func @transform_10(%arg0: i32, %arg1: i32) -> (i32, i32, i32) {
    %c0_i32 = arith.constant 0 : i32
    %c0_i32_0 = arith.constant 0 : i32
    return %arg0, %arg1, %c0_i32 : i32, i32, i32
  }
  func.func @transform_11(%arg0: i32, %arg1: i32) -> (i32, i32) {
    %c0_i32 = arith.constant 0 : i32
    %c0_i32_0 = arith.constant 0 : i32
    %c0_i32_1 = arith.constant 0 : i32
    return %c0_i32, %c0_i32_0 : i32, i32
  }
  func.func @transform_12(%arg0: i32, %arg1: i32) -> (i32, i32) {
    %c0_i32 = arith.constant 0 : i32
    %c0_i32_0 = arith.constant 0 : i32
    %c0_i32_1 = arith.constant 0 : i32
    return %c0_i32, %c0_i32_0 : i32, i32
  }
}

module attributes {stable_mosaic.version = 14 : i64} {
  func.func @_layer_body(%arg0: i32, %arg1: i32, %arg2: memref<1x128x128xf32, #tpu.memory_space<vmem>>, %arg3: memref<1x3072x128xf32, #tpu.memory_space<vmem>>, %arg4: memref<128x32xf32, #tpu.memory_space<vmem>>, %arg5: memref<128x32xf32, #tpu.memory_space<vmem>>, %arg6: memref<128x32xf32, #tpu.memory_space<vmem>>, %arg7: memref<128x32xf32, #tpu.memory_space<vmem>>, %arg8: memref<1x32xf32, #tpu.memory_space<vmem>>, %arg9: memref<1x32xf32, #tpu.memory_space<vmem>>, %arg10: memref<1x32xf32, #tpu.memory_space<vmem>>, %arg11: memref<1x32xf32, #tpu.memory_space<vmem>>, %arg12: memref<1x128x32xf32, #tpu.memory_space<vmem>>, %arg13: memref<1x32xf32, #tpu.memory_space<vmem>>, %arg14: memref<1x32xf32, #tpu.memory_space<vmem>>) attributes {dimension_semantics = [#tpu.dimension_semantics<arbitrary>, #tpu.dimension_semantics<arbitrary>], iteration_bounds = array<i64: 8, 16>, scalar_prefetch = 0 : i64, scratch_operands = 0 : i64, tpu.core_type = #tpu.core_type<tc>, window_params = [{transform_indices = @transform_0, window_bounds = array<i64: 1, 128, 128>}, {transform_indices = @transform_1, window_bounds = array<i64: 1, 3072, 128>}, {pipeline_mode = #tpu.pipeline_mode<synchronous>, transform_indices = @transform_2, window_bounds = array<i64: 128, 32>}, {pipeline_mode = #tpu.pipeline_mode<synchronous>, transform_indices = @transform_3, window_bounds = array<i64: 128, 32>}, {pipeline_mode = #tpu.pipeline_mode<synchronous>, transform_indices = @transform_4, window_bounds = array<i64: 128, 32>}, {pipeline_mode = #tpu.pipeline_mode<synchronous>, transform_indices = @transform_5, window_bounds = array<i64: 128, 32>}, {pipeline_mode = #tpu.pipeline_mode<synchronous>, transform_indices = @transform_6, window_bounds = array<i64: 1, 32>}, {pipeline_mode = #tpu.pipeline_mode<synchronous>, transform_indices = @transform_7, window_bounds = array<i64: 1, 32>}, {pipeline_mode = #tpu.pipeline_mode<synchronous>, transform_indices = @transform_8, window_bounds = array<i64: 1, 32>}, {pipeline_mode = #tpu.pipeline_mode<synchronous>, transform_indices = @transform_9, window_bounds = array<i64: 1, 32>}, {transform_indices = @transform_10, window_bounds = array<i64: 1, 128, 32>}, {pipeline_mode = #tpu.pipeline_mode<synchronous>, transform_indices = @transform_11, window_bounds = array<i64: 1, 32>}, {pipeline_mode = #tpu.pipeline_mode<synchronous>, transform_indices = @transform_12, window_bounds = array<i64: 1, 32>}]} {
    %get3A = arith.constant 0 : index
    %get3A_0 = arith.constant 0 : index
    %get3A_1 = arith.constant 0 : index
    %get3A_2 = vector.load %arg2[%get3A, %get3A_0, %get3A_1] : memref<1x128x128xf32, #tpu.memory_space<vmem>>, vector<1x128x128xf32>
    %get3A_3 = vector.shape_cast %get3A_2 : vector<1x128x128xf32> to vector<128x128xf32>
    %get3A_4 = arith.constant 0 : index
    %get3A_5 = arith.constant 0 : index
    %get3A_6 = arith.constant 0 : index
    %get3A_7 = vector.load %arg3[%get3A_4, %get3A_5, %get3A_6] : memref<1x3072x128xf32, #tpu.memory_space<vmem>>, vector<1x3072x128xf32>
    %get3A_8 = vector.shape_cast %get3A_7 : vector<1x3072x128xf32> to vector<3072x128xf32>
    %get3A_9 = arith.constant 0 : index
    %get3A_10 = arith.constant 0 : index
    %get3A_11 = vector.load %arg4[%get3A_9, %get3A_10] : memref<128x32xf32, #tpu.memory_space<vmem>>, vector<128x32xf32>
    %dot_general3A = arith.constant dense<0.000000e+00> : vector<128x32xf32>
    %dot_general3A_12 = tpu.matmul %get3A_3, %get3A_11, %dot_general3A {dimension_numbers = #tpu.dot_dimension_numbers<[1], [0], [0], [1], [0, 0, 1, 1], [], []>, transpose_lhs_hint = false} : vector<128x128xf32>, vector<128x32xf32>, vector<128x32xf32> -> vector<128x32xf32>
    %get3A_13 = arith.constant 0 : index
    %get3A_14 = arith.constant 0 : index
    %get3A_15 = vector.load %arg8[%get3A_13, %get3A_14] : memref<1x32xf32, #tpu.memory_space<vmem>>, vector<1x32xf32>
    %add3A = vector.broadcast %get3A_15 : vector<1x32xf32> to vector<128x32xf32>
    %add3A_16 = arith.addf %dot_general3A_12, %add3A : vector<128x32xf32>
    %get3A_17 = arith.constant 0 : index
    %get3A_18 = arith.constant 0 : index
    %get3A_19 = vector.load %arg7[%get3A_17, %get3A_18] : memref<128x32xf32, #tpu.memory_space<vmem>>, vector<128x32xf32>
    %dot_general3A_20 = arith.constant dense<0.000000e+00> : vector<128x32xf32>
    %dot_general3A_21 = tpu.matmul %get3A_3, %get3A_19, %dot_general3A_20 {dimension_numbers = #tpu.dot_dimension_numbers<[1], [0], [0], [1], [0, 0, 1, 1], [], []>, transpose_lhs_hint = false} : vector<128x128xf32>, vector<128x32xf32>, vector<128x32xf32> -> vector<128x32xf32>
    %get3A_22 = arith.constant 0 : index
    %get3A_23 = arith.constant 0 : index
    %get3A_24 = vector.load %arg11[%get3A_22, %get3A_23] : memref<1x32xf32, #tpu.memory_space<vmem>>, vector<1x32xf32>
    %add3A_25 = vector.broadcast %get3A_24 : vector<1x32xf32> to vector<128x32xf32>
    %add3A_26 = arith.addf %dot_general3A_21, %add3A_25 : vector<128x32xf32>
    %get3A_27 = arith.constant 0 : index
    %get3A_28 = arith.constant 0 : index
    %get3A_29 = vector.load %arg5[%get3A_27, %get3A_28] : memref<128x32xf32, #tpu.memory_space<vmem>>, vector<128x32xf32>
    %dot_general3A_30 = arith.constant dense<0.000000e+00> : vector<3072x32xf32>
    %dot_general3A_31 = tpu.matmul %get3A_8, %get3A_29, %dot_general3A_30 {dimension_numbers = #tpu.dot_dimension_numbers<[1], [0], [0], [1], [0, 0, 1, 1], [], []>, transpose_lhs_hint = false} : vector<3072x128xf32>, vector<128x32xf32>, vector<3072x32xf32> -> vector<3072x32xf32>
    %get3A_32 = arith.constant 0 : index
    %get3A_33 = arith.constant 0 : index
    %get3A_34 = vector.load %arg9[%get3A_32, %get3A_33] : memref<1x32xf32, #tpu.memory_space<vmem>>, vector<1x32xf32>
    %add3A_35 = vector.broadcast %get3A_34 : vector<1x32xf32> to vector<3072x32xf32>
    %add3A_36 = arith.addf %dot_general3A_31, %add3A_35 : vector<3072x32xf32>
    %get3A_37 = arith.constant 0 : index
    %get3A_38 = arith.constant 0 : index
    %get3A_39 = vector.load %arg6[%get3A_37, %get3A_38] : memref<128x32xf32, #tpu.memory_space<vmem>>, vector<128x32xf32>
    %dot_general3A_40 = arith.constant dense<0.000000e+00> : vector<3072x32xf32>
    %dot_general3A_41 = tpu.matmul %get3A_8, %get3A_39, %dot_general3A_40 {dimension_numbers = #tpu.dot_dimension_numbers<[1], [0], [0], [1], [0, 0, 1, 1], [], []>, transpose_lhs_hint = false} : vector<3072x128xf32>, vector<128x32xf32>, vector<3072x32xf32> -> vector<3072x32xf32>
    %get3A_42 = arith.constant 0 : index
    %get3A_43 = arith.constant 0 : index
    %get3A_44 = vector.load %arg10[%get3A_42, %get3A_43] : memref<1x32xf32, #tpu.memory_space<vmem>>, vector<1x32xf32>
    %add3A_45 = vector.broadcast %get3A_44 : vector<1x32xf32> to vector<3072x32xf32>
    %add3A_46 = arith.addf %dot_general3A_41, %add3A_45 : vector<3072x32xf32>
    %get3A_47 = arith.constant 0 : index
    %get3A_48 = arith.constant 0 : index
    %get3A_49 = vector.load %arg7[%get3A_47, %get3A_48] : memref<128x32xf32, #tpu.memory_space<vmem>>, vector<128x32xf32>
    %dot_general3A_50 = arith.constant dense<0.000000e+00> : vector<3072x32xf32>
    %dot_general3A_51 = tpu.matmul %get3A_8, %get3A_49, %dot_general3A_50 {dimension_numbers = #tpu.dot_dimension_numbers<[1], [0], [0], [1], [0, 0, 1, 1], [], []>, transpose_lhs_hint = false} : vector<3072x128xf32>, vector<128x32xf32>, vector<3072x32xf32> -> vector<3072x32xf32>
    %reshape3A = vector.shape_cast %add3A_36 : vector<3072x32xf32> to vector<128x24x32xf32>
    %reshape3A_52 = vector.shape_cast %add3A_46 : vector<3072x32xf32> to vector<128x24x32xf32>
    %broadcast_in_dim3A = vector.shape_cast %add3A_26 : vector<128x32xf32> to vector<128x1x32xf32>
    %reshape3A_53 = vector.shape_cast %dot_general3A_51 : vector<3072x32xf32> to vector<128x24x32xf32>
    %sub3A = vector.broadcast %broadcast_in_dim3A : vector<128x1x32xf32> to vector<128x24x32xf32>
    %sub3A_54 = arith.subf %sub3A, %reshape3A_53 : vector<128x24x32xf32>
    %broadcast_in_dim3A_55 = vector.shape_cast %add3A_16 : vector<128x32xf32> to vector<128x1x32xf32>
    %sub3A_56 = vector.broadcast %broadcast_in_dim3A_55 : vector<128x1x32xf32> to vector<128x24x32xf32>
    %sub3A_57 = arith.subf %sub3A_56, %reshape3A : vector<128x24x32xf32>
    %add3A_58 = arith.addf %sub3A_57, %sub3A_54 : vector<128x24x32xf32>
    %mul3A = arith.constant 0.176776692 : f32
    %mul3A_59 = vector.broadcast %mul3A : f32 to vector<128x24x32xf32>
    %mul3A_60 = arith.mulf %add3A_58, %mul3A_59 : vector<128x24x32xf32>
    %reduce_max3A = arith.constant dense<0xFF800000> : vector<128x32xf32>
    %reduce_max3A_61 = vector.multi_reduction <maximumf>, %mul3A_60, %reduce_max3A [1] : vector<128x24x32xf32> to vector<128x32xf32>
    %broadcast_in_dim3A_62 = vector.shape_cast %reduce_max3A_61 : vector<128x32xf32> to vector<128x1x32xf32>
    %sub3A_63 = vector.broadcast %broadcast_in_dim3A_62 : vector<128x1x32xf32> to vector<128x24x32xf32>
    %sub3A_64 = arith.subf %mul3A_60, %sub3A_63 : vector<128x24x32xf32>
    %exp3A = math.exp %sub3A_64 : vector<128x24x32xf32>
    %reduce_sum3A = arith.constant dense<0.000000e+00> : vector<128x32xf32>
    %reduce_sum3A_65 = vector.multi_reduction <add>, %exp3A, %reduce_sum3A [1] : vector<128x24x32xf32> to vector<128x32xf32>
    %add3A_66 = arith.addf %reshape3A_52, %sub3A_54 : vector<128x24x32xf32>
    %mul3A_67 = arith.mulf %exp3A, %add3A_66 : vector<128x24x32xf32>
    %reduce_sum3A_68 = arith.constant dense<0.000000e+00> : vector<128x32xf32>
    %reduce_sum3A_69 = vector.multi_reduction <add>, %mul3A_67, %reduce_sum3A_68 [1] : vector<128x24x32xf32> to vector<128x32xf32>
    %div3A = arith.divf %reduce_sum3A_69, %reduce_sum3A_65 : vector<128x32xf32>
    %swap3A = arith.constant 0 : index
    %swap3A_70 = arith.constant 0 : index
    %swap3A_71 = arith.constant 0 : index
    %swap3A_72 = vector.load %arg12[%swap3A, %swap3A_70, %swap3A_71] : memref<1x128x32xf32, #tpu.memory_space<vmem>>, vector<1x128x32xf32>
    %swap3A_73 = vector.shape_cast %swap3A_72 : vector<1x128x32xf32> to vector<128x32xf32>
    %swap3A_74 = vector.shape_cast %div3A : vector<128x32xf32> to vector<1x128x32xf32>
    tpu.vector_store %arg12[%swap3A, %swap3A_70, %swap3A_71], %swap3A_74 {strides = array<i32>} : memref<1x128x32xf32, #tpu.memory_space<vmem>>, vector<1x128x32xf32>,
    %eq3A = arith.constant 0 : i32
    %eq3A_75 = arith.cmpi eq, %arg0, %eq3A : i32
    %eq3A_76 = arith.constant 0 : i32
    %eq3A_77 = arith.cmpi eq, %arg1, %eq3A_76 : i32
    %and3A = arith.andi %eq3A_75, %eq3A_77 : i1
    %convert_element_type3A = arith.extui %and3A : i1 to i32
    %cond3A = arith.constant 0 : i32
    %cond3A_78 = arith.cmpi ne, %convert_element_type3A, %cond3A : i32
    scf.if %cond3A_78 {
      %broadcast_in_dim3A_100 = arith.constant 0.000000e+00 : f32
      %broadcast_in_dim3A_101 = vector.broadcast %broadcast_in_dim3A_100 : f32 to vector<1x32xf32>
      %swap3A_102 = arith.constant 0 : index
      %swap3A_103 = arith.constant 0 : index
      %swap3A_104 = vector.load %arg13[%swap3A_102, %swap3A_103] : memref<1x32xf32, #tpu.memory_space<vmem>>, vector<1x32xf32>
      tpu.vector_store %arg13[%swap3A_102, %swap3A_103], %broadcast_in_dim3A_101 {strides = array<i32>} : memref<1x32xf32, #tpu.memory_space<vmem>>, vector<1x32xf32>,
      %broadcast_in_dim3A_105 = arith.constant 0.000000e+00 : f32
      %broadcast_in_dim3A_106 = vector.broadcast %broadcast_in_dim3A_105 : f32 to vector<1x32xf32>
      %swap3A_107 = arith.constant 0 : index
      %swap3A_108 = arith.constant 0 : index
      %swap3A_109 = vector.load %arg14[%swap3A_107, %swap3A_108] : memref<1x32xf32, #tpu.memory_space<vmem>>, vector<1x32xf32>
      tpu.vector_store %arg14[%swap3A_107, %swap3A_108], %broadcast_in_dim3A_106 {strides = array<i32>} : memref<1x32xf32, #tpu.memory_space<vmem>>, vector<1x32xf32>,
    } else {
    }
    %get3A_79 = arith.constant 0 : index
    %get3A_80 = arith.constant 0 : index
    %get3A_81 = vector.load %arg13[%get3A_79, %get3A_80] : memref<1x32xf32, #tpu.memory_space<vmem>>, vector<1x32xf32>
    %reduce_sum3A_82 = arith.constant dense<0.000000e+00> : vector<32xf32>
    %reduce_sum3A_83 = vector.multi_reduction <add>, %div3A, %reduce_sum3A_82 [0] : vector<128x32xf32> to vector<32xf32>
    %broadcast_in_dim3A_84 = vector.shape_cast %reduce_sum3A_83 : vector<32xf32> to vector<1x32xf32>
    %add3A_85 = arith.addf %get3A_81, %broadcast_in_dim3A_84 : vector<1x32xf32>
    %swap3A_86 = arith.constant 0 : index
    %swap3A_87 = arith.constant 0 : index
    %swap3A_88 = vector.load %arg13[%swap3A_86, %swap3A_87] : memref<1x32xf32, #tpu.memory_space<vmem>>, vector<1x32xf32>
    tpu.vector_store %arg13[%swap3A_86, %swap3A_87], %add3A_85 {strides = array<i32>} : memref<1x32xf32, #tpu.memory_space<vmem>>, vector<1x32xf32>,
    %get3A_89 = arith.constant 0 : index
    %get3A_90 = arith.constant 0 : index
    %get3A_91 = vector.load %arg14[%get3A_89, %get3A_90] : memref<1x32xf32, #tpu.memory_space<vmem>>, vector<1x32xf32>
    %mul3A_92 = arith.mulf %div3A, %div3A : vector<128x32xf32>
    %reduce_sum3A_93 = arith.constant dense<0.000000e+00> : vector<32xf32>
    %reduce_sum3A_94 = vector.multi_reduction <add>, %mul3A_92, %reduce_sum3A_93 [0] : vector<128x32xf32> to vector<32xf32>
    %broadcast_in_dim3A_95 = vector.shape_cast %reduce_sum3A_94 : vector<32xf32> to vector<1x32xf32>
    %add3A_96 = arith.addf %get3A_91, %broadcast_in_dim3A_95 : vector<1x32xf32>
    %swap3A_97 = arith.constant 0 : index
    %swap3A_98 = arith.constant 0 : index
    %swap3A_99 = vector.load %arg14[%swap3A_97, %swap3A_98] : memref<1x32xf32, #tpu.memory_space<vmem>>, vector<1x32xf32>
    tpu.vector_store %arg14[%swap3A_97, %swap3A_98], %add3A_96 {strides = array<i32>} : memref<1x32xf32, #tpu.memory_space<vmem>>, vector<1x32xf32>,
    return
  }
  func.func @transform_0(%arg0: i32, %arg1: i32) -> (i32, i32, i32) {
    %c0_i32 = arith.constant 0 : i32
    %c0_i32_0 = arith.constant 0 : i32
    return %arg0, %arg1, %c0_i32 : i32, i32, i32
  }
  func.func @transform_1(%arg0: i32, %arg1: i32) -> (i32, i32, i32) {
    %c0_i32 = arith.constant 0 : i32
    %c0_i32_0 = arith.constant 0 : i32
    return %arg0, %arg1, %c0_i32 : i32, i32, i32
  }
  func.func @transform_2(%arg0: i32, %arg1: i32) -> (i32, i32) {
    %c0_i32 = arith.constant 0 : i32
    %c0_i32_0 = arith.constant 0 : i32
    %c0_i32_1 = arith.constant 0 : i32
    return %c0_i32, %c0_i32_0 : i32, i32
  }
  func.func @transform_3(%arg0: i32, %arg1: i32) -> (i32, i32) {
    %c0_i32 = arith.constant 0 : i32
    %c0_i32_0 = arith.constant 0 : i32
    %c0_i32_1 = arith.constant 0 : i32
    return %c0_i32, %c0_i32_0 : i32, i32
  }
  func.func @transform_4(%arg0: i32, %arg1: i32) -> (i32, i32) {
    %c0_i32 = arith.constant 0 : i32
    %c0_i32_0 = arith.constant 0 : i32
    %c0_i32_1 = arith.constant 0 : i32
    return %c0_i32, %c0_i32_0 : i32, i32
  }
  func.func @transform_5(%arg0: i32, %arg1: i32) -> (i32, i32) {
    %c0_i32 = arith.constant 0 : i32
    %c0_i32_0 = arith.constant 0 : i32
    %c0_i32_1 = arith.constant 0 : i32
    return %c0_i32, %c0_i32_0 : i32, i32
  }
  func.func @transform_6(%arg0: i32, %arg1: i32) -> (i32, i32) {
    %c0_i32 = arith.constant 0 : i32
    %c0_i32_0 = arith.constant 0 : i32
    %c0_i32_1 = arith.constant 0 : i32
    return %c0_i32, %c0_i32_0 : i32, i32
  }
  func.func @transform_7(%arg0: i32, %arg1: i32) -> (i32, i32) {
    %c0_i32 = arith.constant 0 : i32
    %c0_i32_0 = arith.constant 0 : i32
    %c0_i32_1 = arith.constant 0 : i32
    return %c0_i32, %c0_i32_0 : i32, i32
  }
  func.func @transform_8(%arg0: i32, %arg1: i32) -> (i32, i32) {
    %c0_i32 = arith.constant 0 : i32
    %c0_i32_0 = arith.constant 0 : i32
    %c0_i32_1 = arith.constant 0 : i32
    return %c0_i32, %c0_i32_0 : i32, i32
  }
  func.func @transform_9(%arg0: i32, %arg1: i32) -> (i32, i32) {
    %c0_i32 = arith.constant 0 : i32
    %c0_i32_0 = arith.constant 0 : i32
    %c0_i32_1 = arith.constant 0 : i32
    return %c0_i32, %c0_i32_0 : i32, i32
  }
  func.func @transform_10(%arg0: i32, %arg1: i32) -> (i32, i32, i32) {
    %c0_i32 = arith.constant 0 : i32
    %c0_i32_0 = arith.constant 0 : i32
    return %arg0, %arg1, %c0_i32 : i32, i32, i32
  }
  func.func @transform_11(%arg0: i32, %arg1: i32) -> (i32, i32) {
    %c0_i32 = arith.constant 0 : i32
    %c0_i32_0 = arith.constant 0 : i32
    %c0_i32_1 = arith.constant 0 : i32
    return %c0_i32, %c0_i32_0 : i32, i32
  }
  func.func @transform_12(%arg0: i32, %arg1: i32) -> (i32, i32) {
    %c0_i32 = arith.constant 0 : i32
    %c0_i32_0 = arith.constant 0 : i32
    %c0_i32_1 = arith.constant 0 : i32
    return %c0_i32, %c0_i32_0 : i32, i32
  }
}

module attributes {stable_mosaic.version = 14 : i64} {
  func.func @_layer_body(%arg0: i32, %arg1: i32, %arg2: memref<1x128x128xf32, #tpu.memory_space<vmem>>, %arg3: memref<1x3072x128xf32, #tpu.memory_space<vmem>>, %arg4: memref<128x128xf32, #tpu.memory_space<vmem>>, %arg5: memref<128x128xf32, #tpu.memory_space<vmem>>, %arg6: memref<128x128xf32, #tpu.memory_space<vmem>>, %arg7: memref<128x128xf32, #tpu.memory_space<vmem>>, %arg8: memref<1x128xf32, #tpu.memory_space<vmem>>, %arg9: memref<1x128xf32, #tpu.memory_space<vmem>>, %arg10: memref<1x128xf32, #tpu.memory_space<vmem>>, %arg11: memref<1x128xf32, #tpu.memory_space<vmem>>, %arg12: memref<1x128x128xf32, #tpu.memory_space<vmem>>, %arg13: memref<1x128xf32, #tpu.memory_space<vmem>>, %arg14: memref<1x128xf32, #tpu.memory_space<vmem>>) attributes {dimension_semantics = [#tpu.dimension_semantics<arbitrary>, #tpu.dimension_semantics<arbitrary>], iteration_bounds = array<i64: 8, 16>, scalar_prefetch = 0 : i64, scratch_operands = 0 : i64, tpu.core_type = #tpu.core_type<tc>, window_params = [{transform_indices = @transform_0, window_bounds = array<i64: 1, 128, 128>}, {transform_indices = @transform_1, window_bounds = array<i64: 1, 3072, 128>}, {pipeline_mode = #tpu.pipeline_mode<synchronous>, transform_indices = @transform_2, window_bounds = array<i64: 128, 128>}, {pipeline_mode = #tpu.pipeline_mode<synchronous>, transform_indices = @transform_3, window_bounds = array<i64: 128, 128>}, {pipeline_mode = #tpu.pipeline_mode<synchronous>, transform_indices = @transform_4, window_bounds = array<i64: 128, 128>}, {pipeline_mode = #tpu.pipeline_mode<synchronous>, transform_indices = @transform_5, window_bounds = array<i64: 128, 128>}, {pipeline_mode = #tpu.pipeline_mode<synchronous>, transform_indices = @transform_6, window_bounds = array<i64: 1, 128>}, {pipeline_mode = #tpu.pipeline_mode<synchronous>, transform_indices = @transform_7, window_bounds = array<i64: 1, 128>}, {pipeline_mode = #tpu.pipeline_mode<synchronous>, transform_indices = @transform_8, window_bounds = array<i64: 1, 128>}, {pipeline_mode = #tpu.pipeline_mode<synchronous>, transform_indices = @transform_9, window_bounds = array<i64: 1, 128>}, {transform_indices = @transform_10, window_bounds = array<i64: 1, 128, 128>}, {pipeline_mode = #tpu.pipeline_mode<synchronous>, transform_indices = @transform_11, window_bounds = array<i64: 1, 128>}, {pipeline_mode = #tpu.pipeline_mode<synchronous>, transform_indices = @transform_12, window_bounds = array<i64: 1, 128>}]} {
    %get3A = arith.constant 0 : index
    %get3A_0 = arith.constant 0 : index
    %get3A_1 = arith.constant 0 : index
    %get3A_2 = vector.load %arg2[%get3A, %get3A_0, %get3A_1] : memref<1x128x128xf32, #tpu.memory_space<vmem>>, vector<1x128x128xf32>
    %get3A_3 = vector.shape_cast %get3A_2 : vector<1x128x128xf32> to vector<128x128xf32>
    %get3A_4 = arith.constant 0 : index
    %get3A_5 = arith.constant 0 : index
    %get3A_6 = arith.constant 0 : index
    %get3A_7 = vector.load %arg3[%get3A_4, %get3A_5, %get3A_6] : memref<1x3072x128xf32, #tpu.memory_space<vmem>>, vector<1x3072x128xf32>
    %get3A_8 = vector.shape_cast %get3A_7 : vector<1x3072x128xf32> to vector<3072x128xf32>
    %get3A_9 = arith.constant 0 : index
    %get3A_10 = arith.constant 0 : index
    %get3A_11 = vector.load %arg4[%get3A_9, %get3A_10] : memref<128x128xf32, #tpu.memory_space<vmem>>, vector<128x128xf32>
    %dot_general3A = arith.constant dense<0.000000e+00> : vector<128x128xf32>
    %dot_general3A_12 = tpu.matmul %get3A_3, %get3A_11, %dot_general3A {dimension_numbers = #tpu.dot_dimension_numbers<[1], [0], [0], [1], [0, 0, 1, 1], [], []>, transpose_lhs_hint = false} : vector<128x128xf32>, vector<128x128xf32>, vector<128x128xf32> -> vector<128x128xf32>
    %get3A_13 = arith.constant 0 : index
    %get3A_14 = arith.constant 0 : index
    %get3A_15 = vector.load %arg8[%get3A_13, %get3A_14] : memref<1x128xf32, #tpu.memory_space<vmem>>, vector<1x128xf32>
    %add3A = vector.broadcast %get3A_15 : vector<1x128xf32> to vector<128x128xf32>
    %add3A_16 = arith.addf %dot_general3A_12, %add3A : vector<128x128xf32>
    %get3A_17 = arith.constant 0 : index
    %get3A_18 = arith.constant 0 : index
    %get3A_19 = vector.load %arg7[%get3A_17, %get3A_18] : memref<128x128xf32, #tpu.memory_space<vmem>>, vector<128x128xf32>
    %dot_general3A_20 = arith.constant dense<0.000000e+00> : vector<128x128xf32>
    %dot_general3A_21 = tpu.matmul %get3A_3, %get3A_19, %dot_general3A_20 {dimension_numbers = #tpu.dot_dimension_numbers<[1], [0], [0], [1], [0, 0, 1, 1], [], []>, transpose_lhs_hint = false} : vector<128x128xf32>, vector<128x128xf32>, vector<128x128xf32> -> vector<128x128xf32>
    %get3A_22 = arith.constant 0 : index
    %get3A_23 = arith.constant 0 : index
    %get3A_24 = vector.load %arg11[%get3A_22, %get3A_23] : memref<1x128xf32, #tpu.memory_space<vmem>>, vector<1x128xf32>
    %add3A_25 = vector.broadcast %get3A_24 : vector<1x128xf32> to vector<128x128xf32>
    %add3A_26 = arith.addf %dot_general3A_21, %add3A_25 : vector<128x128xf32>
    %get3A_27 = arith.constant 0 : index
    %get3A_28 = arith.constant 0 : index
    %get3A_29 = vector.load %arg5[%get3A_27, %get3A_28] : memref<128x128xf32, #tpu.memory_space<vmem>>, vector<128x128xf32>
    %dot_general3A_30 = arith.constant dense<0.000000e+00> : vector<3072x128xf32>
    %dot_general3A_31 = tpu.matmul %get3A_8, %get3A_29, %dot_general3A_30 {dimension_numbers = #tpu.dot_dimension_numbers<[1], [0], [0], [1], [0, 0, 1, 1], [], []>, transpose_lhs_hint = false} : vector<3072x128xf32>, vector<128x128xf32>, vector<3072x128xf32> -> vector<3072x128xf32>
    %get3A_32 = arith.constant 0 : index
    %get3A_33 = arith.constant 0 : index
    %get3A_34 = vector.load %arg9[%get3A_32, %get3A_33] : memref<1x128xf32, #tpu.memory_space<vmem>>, vector<1x128xf32>
    %add3A_35 = vector.broadcast %get3A_34 : vector<1x128xf32> to vector<3072x128xf32>
    %add3A_36 = arith.addf %dot_general3A_31, %add3A_35 : vector<3072x128xf32>
    %get3A_37 = arith.constant 0 : index
    %get3A_38 = arith.constant 0 : index
    %get3A_39 = vector.load %arg6[%get3A_37, %get3A_38] : memref<128x128xf32, #tpu.memory_space<vmem>>, vector<128x128xf32>
    %dot_general3A_40 = arith.constant dense<0.000000e+00> : vector<3072x128xf32>
    %dot_general3A_41 = tpu.matmul %get3A_8, %get3A_39, %dot_general3A_40 {dimension_numbers = #tpu.dot_dimension_numbers<[1], [0], [0], [1], [0, 0, 1, 1], [], []>, transpose_lhs_hint = false} : vector<3072x128xf32>, vector<128x128xf32>, vector<3072x128xf32> -> vector<3072x128xf32>
    %get3A_42 = arith.constant 0 : index
    %get3A_43 = arith.constant 0 : index
    %get3A_44 = vector.load %arg10[%get3A_42, %get3A_43] : memref<1x128xf32, #tpu.memory_space<vmem>>, vector<1x128xf32>
    %add3A_45 = vector.broadcast %get3A_44 : vector<1x128xf32> to vector<3072x128xf32>
    %add3A_46 = arith.addf %dot_general3A_41, %add3A_45 : vector<3072x128xf32>
    %get3A_47 = arith.constant 0 : index
    %get3A_48 = arith.constant 0 : index
    %get3A_49 = vector.load %arg7[%get3A_47, %get3A_48] : memref<128x128xf32, #tpu.memory_space<vmem>>, vector<128x128xf32>
    %dot_general3A_50 = arith.constant dense<0.000000e+00> : vector<3072x128xf32>
    %dot_general3A_51 = tpu.matmul %get3A_8, %get3A_49, %dot_general3A_50 {dimension_numbers = #tpu.dot_dimension_numbers<[1], [0], [0], [1], [0, 0, 1, 1], [], []>, transpose_lhs_hint = false} : vector<3072x128xf32>, vector<128x128xf32>, vector<3072x128xf32> -> vector<3072x128xf32>
    %reshape3A = vector.shape_cast %add3A_36 : vector<3072x128xf32> to vector<128x24x128xf32>
    %reshape3A_52 = vector.shape_cast %add3A_46 : vector<3072x128xf32> to vector<128x24x128xf32>
    %broadcast_in_dim3A = vector.shape_cast %add3A_26 : vector<128x128xf32> to vector<128x1x128xf32>
    %reshape3A_53 = vector.shape_cast %dot_general3A_51 : vector<3072x128xf32> to vector<128x24x128xf32>
    %sub3A = vector.broadcast %broadcast_in_dim3A : vector<128x1x128xf32> to vector<128x24x128xf32>
    %sub3A_54 = arith.subf %sub3A, %reshape3A_53 : vector<128x24x128xf32>
    %broadcast_in_dim3A_55 = vector.shape_cast %add3A_16 : vector<128x128xf32> to vector<128x1x128xf32>
    %sub3A_56 = vector.broadcast %broadcast_in_dim3A_55 : vector<128x1x128xf32> to vector<128x24x128xf32>
    %sub3A_57 = arith.subf %sub3A_56, %reshape3A : vector<128x24x128xf32>
    %add3A_58 = arith.addf %sub3A_57, %sub3A_54 : vector<128x24x128xf32>
    %mul3A = arith.constant 0.0883883461 : f32
    %mul3A_59 = vector.broadcast %mul3A : f32 to vector<128x24x128xf32>
    %mul3A_60 = arith.mulf %add3A_58, %mul3A_59 : vector<128x24x128xf32>
    %reduce_max3A = arith.constant dense<0xFF800000> : vector<128x128xf32>
    %reduce_max3A_61 = vector.multi_reduction <maximumf>, %mul3A_60, %reduce_max3A [1] : vector<128x24x128xf32> to vector<128x128xf32>
    %broadcast_in_dim3A_62 = vector.shape_cast %reduce_max3A_61 : vector<128x128xf32> to vector<128x1x128xf32>
    %sub3A_63 = vector.broadcast %broadcast_in_dim3A_62 : vector<128x1x128xf32> to vector<128x24x128xf32>
    %sub3A_64 = arith.subf %mul3A_60, %sub3A_63 : vector<128x24x128xf32>
    %exp3A = math.exp %sub3A_64 : vector<128x24x128xf32>
    %reduce_sum3A = arith.constant dense<0.000000e+00> : vector<128x128xf32>
    %reduce_sum3A_65 = vector.multi_reduction <add>, %exp3A, %reduce_sum3A [1] : vector<128x24x128xf32> to vector<128x128xf32>
    %add3A_66 = arith.addf %reshape3A_52, %sub3A_54 : vector<128x24x128xf32>
    %mul3A_67 = arith.mulf %exp3A, %add3A_66 : vector<128x24x128xf32>
    %reduce_sum3A_68 = arith.constant dense<0.000000e+00> : vector<128x128xf32>
    %reduce_sum3A_69 = vector.multi_reduction <add>, %mul3A_67, %reduce_sum3A_68 [1] : vector<128x24x128xf32> to vector<128x128xf32>
    %div3A = arith.divf %reduce_sum3A_69, %reduce_sum3A_65 : vector<128x128xf32>
    %swap3A = arith.constant 0 : index
    %swap3A_70 = arith.constant 0 : index
    %swap3A_71 = arith.constant 0 : index
    %swap3A_72 = vector.load %arg12[%swap3A, %swap3A_70, %swap3A_71] : memref<1x128x128xf32, #tpu.memory_space<vmem>>, vector<1x128x128xf32>
    %swap3A_73 = vector.shape_cast %swap3A_72 : vector<1x128x128xf32> to vector<128x128xf32>
    %swap3A_74 = vector.shape_cast %div3A : vector<128x128xf32> to vector<1x128x128xf32>
    tpu.vector_store %arg12[%swap3A, %swap3A_70, %swap3A_71], %swap3A_74 {strides = array<i32>} : memref<1x128x128xf32, #tpu.memory_space<vmem>>, vector<1x128x128xf32>,
    %eq3A = arith.constant 0 : i32
    %eq3A_75 = arith.cmpi eq, %arg0, %eq3A : i32
    %eq3A_76 = arith.constant 0 : i32
    %eq3A_77 = arith.cmpi eq, %arg1, %eq3A_76 : i32
    %and3A = arith.andi %eq3A_75, %eq3A_77 : i1
    %convert_element_type3A = arith.extui %and3A : i1 to i32
    %cond3A = arith.constant 0 : i32
    %cond3A_78 = arith.cmpi ne, %convert_element_type3A, %cond3A : i32
    scf.if %cond3A_78 {
      %broadcast_in_dim3A_100 = arith.constant 0.000000e+00 : f32
      %broadcast_in_dim3A_101 = vector.broadcast %broadcast_in_dim3A_100 : f32 to vector<1x128xf32>
      %swap3A_102 = arith.constant 0 : index
      %swap3A_103 = arith.constant 0 : index
      %swap3A_104 = vector.load %arg13[%swap3A_102, %swap3A_103] : memref<1x128xf32, #tpu.memory_space<vmem>>, vector<1x128xf32>
      tpu.vector_store %arg13[%swap3A_102, %swap3A_103], %broadcast_in_dim3A_101 {strides = array<i32>} : memref<1x128xf32, #tpu.memory_space<vmem>>, vector<1x128xf32>,
      %broadcast_in_dim3A_105 = arith.constant 0.000000e+00 : f32
      %broadcast_in_dim3A_106 = vector.broadcast %broadcast_in_dim3A_105 : f32 to vector<1x128xf32>
      %swap3A_107 = arith.constant 0 : index
      %swap3A_108 = arith.constant 0 : index
      %swap3A_109 = vector.load %arg14[%swap3A_107, %swap3A_108] : memref<1x128xf32, #tpu.memory_space<vmem>>, vector<1x128xf32>
      tpu.vector_store %arg14[%swap3A_107, %swap3A_108], %broadcast_in_dim3A_106 {strides = array<i32>} : memref<1x128xf32, #tpu.memory_space<vmem>>, vector<1x128xf32>,
    } else {
    }
    %get3A_79 = arith.constant 0 : index
    %get3A_80 = arith.constant 0 : index
    %get3A_81 = vector.load %arg13[%get3A_79, %get3A_80] : memref<1x128xf32, #tpu.memory_space<vmem>>, vector<1x128xf32>
    %reduce_sum3A_82 = arith.constant dense<0.000000e+00> : vector<128xf32>
    %reduce_sum3A_83 = vector.multi_reduction <add>, %div3A, %reduce_sum3A_82 [0] : vector<128x128xf32> to vector<128xf32>
    %broadcast_in_dim3A_84 = vector.shape_cast %reduce_sum3A_83 : vector<128xf32> to vector<1x128xf32>
    %add3A_85 = arith.addf %get3A_81, %broadcast_in_dim3A_84 : vector<1x128xf32>
    %swap3A_86 = arith.constant 0 : index
    %swap3A_87 = arith.constant 0 : index
    %swap3A_88 = vector.load %arg13[%swap3A_86, %swap3A_87] : memref<1x128xf32, #tpu.memory_space<vmem>>, vector<1x128xf32>
    tpu.vector_store %arg13[%swap3A_86, %swap3A_87], %add3A_85 {strides = array<i32>} : memref<1x128xf32, #tpu.memory_space<vmem>>, vector<1x128xf32>,
    %get3A_89 = arith.constant 0 : index
    %get3A_90 = arith.constant 0 : index
    %get3A_91 = vector.load %arg14[%get3A_89, %get3A_90] : memref<1x128xf32, #tpu.memory_space<vmem>>, vector<1x128xf32>
    %mul3A_92 = arith.mulf %div3A, %div3A : vector<128x128xf32>
    %reduce_sum3A_93 = arith.constant dense<0.000000e+00> : vector<128xf32>
    %reduce_sum3A_94 = vector.multi_reduction <add>, %mul3A_92, %reduce_sum3A_93 [0] : vector<128x128xf32> to vector<128xf32>
    %broadcast_in_dim3A_95 = vector.shape_cast %reduce_sum3A_94 : vector<128xf32> to vector<1x128xf32>
    %add3A_96 = arith.addf %get3A_91, %broadcast_in_dim3A_95 : vector<1x128xf32>
    %swap3A_97 = arith.constant 0 : index
    %swap3A_98 = arith.constant 0 : index
    %swap3A_99 = vector.load %arg14[%swap3A_97, %swap3A_98] : memref<1x128xf32, #tpu.memory_space<vmem>>, vector<1x128xf32>
    tpu.vector_store %arg14[%swap3A_97, %swap3A_98], %add3A_96 {strides = array<i32>} : memref<1x128xf32, #tpu.memory_space<vmem>>, vector<1x128xf32>,
    return
  }
  func.func @transform_0(%arg0: i32, %arg1: i32) -> (i32, i32, i32) {
    %c0_i32 = arith.constant 0 : i32
    %c0_i32_0 = arith.constant 0 : i32
    return %arg0, %arg1, %c0_i32 : i32, i32, i32
  }
  func.func @transform_1(%arg0: i32, %arg1: i32) -> (i32, i32, i32) {
    %c0_i32 = arith.constant 0 : i32
    %c0_i32_0 = arith.constant 0 : i32
    return %arg0, %arg1, %c0_i32 : i32, i32, i32
  }
  func.func @transform_2(%arg0: i32, %arg1: i32) -> (i32, i32) {
    %c0_i32 = arith.constant 0 : i32
    %c0_i32_0 = arith.constant 0 : i32
    %c0_i32_1 = arith.constant 0 : i32
    return %c0_i32, %c0_i32_0 : i32, i32
  }
  func.func @transform_3(%arg0: i32, %arg1: i32) -> (i32, i32) {
    %c0_i32 = arith.constant 0 : i32
    %c0_i32_0 = arith.constant 0 : i32
    %c0_i32_1 = arith.constant 0 : i32
    return %c0_i32, %c0_i32_0 : i32, i32
  }
  func.func @transform_4(%arg0: i32, %arg1: i32) -> (i32, i32) {
    %c0_i32 = arith.constant 0 : i32
    %c0_i32_0 = arith.constant 0 : i32
    %c0_i32_1 = arith.constant 0 : i32
    return %c0_i32, %c0_i32_0 : i32, i32
  }
  func.func @transform_5(%arg0: i32, %arg1: i32) -> (i32, i32) {
    %c0_i32 = arith.constant 0 : i32
    %c0_i32_0 = arith.constant 0 : i32
    %c0_i32_1 = arith.constant 0 : i32
    return %c0_i32, %c0_i32_0 : i32, i32
  }
  func.func @transform_6(%arg0: i32, %arg1: i32) -> (i32, i32) {
    %c0_i32 = arith.constant 0 : i32
    %c0_i32_0 = arith.constant 0 : i32
    %c0_i32_1 = arith.constant 0 : i32
    return %c0_i32, %c0_i32_0 : i32, i32
  }
  func.func @transform_7(%arg0: i32, %arg1: i32) -> (i32, i32) {
    %c0_i32 = arith.constant 0 : i32
    %c0_i32_0 = arith.constant 0 : i32
    %c0_i32_1 = arith.constant 0 : i32
    return %c0_i32, %c0_i32_0 : i32, i32
  }
  func.func @transform_8(%arg0: i32, %arg1: i32) -> (i32, i32) {
    %c0_i32 = arith.constant 0 : i32
    %c0_i32_0 = arith.constant 0 : i32
    %c0_i32_1 = arith.constant 0 : i32
    return %c0_i32, %c0_i32_0 : i32, i32
  }
  func.func @transform_9(%arg0: i32, %arg1: i32) -> (i32, i32) {
    %c0_i32 = arith.constant 0 : i32
    %c0_i32_0 = arith.constant 0 : i32
    %c0_i32_1 = arith.constant 0 : i32
    return %c0_i32, %c0_i32_0 : i32, i32
  }
  func.func @transform_10(%arg0: i32, %arg1: i32) -> (i32, i32, i32) {
    %c0_i32 = arith.constant 0 : i32
    %c0_i32_0 = arith.constant 0 : i32
    return %arg0, %arg1, %c0_i32 : i32, i32, i32
  }
  func.func @transform_11(%arg0: i32, %arg1: i32) -> (i32, i32) {
    %c0_i32 = arith.constant 0 : i32
    %c0_i32_0 = arith.constant 0 : i32
    %c0_i32_1 = arith.constant 0 : i32
    return %c0_i32, %c0_i32_0 : i32, i32
  }
  func.func @transform_12(%arg0: i32, %arg1: i32) -> (i32, i32) {
    %c0_i32 = arith.constant 0 : i32
    %c0_i32_0 = arith.constant 0 : i32
    %c0_i32_1 = arith.constant 0 : i32
    return %c0_i32, %c0_i32_0 : i32, i32
  }
}

module attributes {stable_mosaic.version = 14 : i64} {
  func.func @_final_body(%arg0: i32, %arg1: memref<1x2048x128xf32, #tpu.memory_space<vmem>>, %arg2: memref<1x2048x16xf32, #tpu.memory_space<vmem>>, %arg3: memref<16x128xf32, #tpu.memory_space<vmem>>, %arg4: memref<1x128xf32, #tpu.memory_space<vmem>>, %arg5: memref<1x128xf32, #tpu.memory_space<vmem>>, %arg6: memref<1x2048x128xf32, #tpu.memory_space<vmem>>) attributes {dimension_semantics = [#tpu.dimension_semantics<arbitrary>], iteration_bounds = array<i64: 8>, scalar_prefetch = 0 : i64, scratch_operands = 0 : i64, tpu.core_type = #tpu.core_type<tc>, window_params = [{transform_indices = @transform_0, window_bounds = array<i64: 1, 2048, 128>}, {transform_indices = @transform_1, window_bounds = array<i64: 1, 2048, 16>}, {pipeline_mode = #tpu.pipeline_mode<synchronous>, transform_indices = @transform_2, window_bounds = array<i64: 16, 128>}, {pipeline_mode = #tpu.pipeline_mode<synchronous>, transform_indices = @transform_3, window_bounds = array<i64: 1, 128>}, {pipeline_mode = #tpu.pipeline_mode<synchronous>, transform_indices = @transform_4, window_bounds = array<i64: 1, 128>}, {transform_indices = @transform_5, window_bounds = array<i64: 1, 2048, 128>}]} {
    %get3A = arith.constant 0 : index
    %get3A_0 = arith.constant 0 : index
    %get3A_1 = arith.constant 0 : index
    %get3A_2 = vector.load %arg1[%get3A, %get3A_0, %get3A_1] : memref<1x2048x128xf32, #tpu.memory_space<vmem>>, vector<1x2048x128xf32>
    %get3A_3 = vector.shape_cast %get3A_2 : vector<1x2048x128xf32> to vector<2048x128xf32>
    %get3A_4 = arith.constant 0 : index
    %get3A_5 = arith.constant 0 : index
    %get3A_6 = arith.constant 0 : index
    %get3A_7 = vector.load %arg2[%get3A_4, %get3A_5, %get3A_6] : memref<1x2048x16xf32, #tpu.memory_space<vmem>>, vector<1x2048x16xf32>
    %get3A_8 = vector.shape_cast %get3A_7 : vector<1x2048x16xf32> to vector<2048x16xf32>
    %get3A_9 = arith.constant 0 : index
    %get3A_10 = arith.constant 0 : index
    %get3A_11 = vector.load %arg4[%get3A_9, %get3A_10] : memref<1x128xf32, #tpu.memory_space<vmem>>, vector<1x128xf32>
    %mul3A = vector.broadcast %get3A_11 : vector<1x128xf32> to vector<2048x128xf32>
    %mul3A_12 = arith.mulf %get3A_3, %mul3A : vector<2048x128xf32>
    %get3A_13 = arith.constant 0 : index
    %get3A_14 = arith.constant 0 : index
    %get3A_15 = vector.load %arg3[%get3A_13, %get3A_14] : memref<16x128xf32, #tpu.memory_space<vmem>>, vector<16x128xf32>
    %dot_general3A = arith.constant dense<0.000000e+00> : vector<2048x128xf32>
    %dot_general3A_16 = tpu.matmul %get3A_8, %get3A_15, %dot_general3A {dimension_numbers = #tpu.dot_dimension_numbers<[1], [0], [0], [1], [0, 0, 1, 1], [], []>, transpose_lhs_hint = false} : vector<2048x16xf32>, vector<16x128xf32>, vector<2048x128xf32> -> vector<2048x128xf32>
    %add3A = arith.addf %mul3A_12, %dot_general3A_16 : vector<2048x128xf32>
    %get3A_17 = arith.constant 0 : index
    %get3A_18 = arith.constant 0 : index
    %get3A_19 = vector.load %arg5[%get3A_17, %get3A_18] : memref<1x128xf32, #tpu.memory_space<vmem>>, vector<1x128xf32>
    %add3A_20 = vector.broadcast %get3A_19 : vector<1x128xf32> to vector<2048x128xf32>
    %add3A_21 = arith.addf %add3A, %add3A_20 : vector<2048x128xf32>
    %swap3A = arith.constant 0 : index
    %swap3A_22 = arith.constant 0 : index
    %swap3A_23 = arith.constant 0 : index
    %swap3A_24 = vector.load %arg6[%swap3A, %swap3A_22, %swap3A_23] : memref<1x2048x128xf32, #tpu.memory_space<vmem>>, vector<1x2048x128xf32>
    %swap3A_25 = vector.shape_cast %swap3A_24 : vector<1x2048x128xf32> to vector<2048x128xf32>
    %swap3A_26 = vector.shape_cast %add3A_21 : vector<2048x128xf32> to vector<1x2048x128xf32>
    tpu.vector_store %arg6[%swap3A, %swap3A_22, %swap3A_23], %swap3A_26 {strides = array<i32>} : memref<1x2048x128xf32, #tpu.memory_space<vmem>>, vector<1x2048x128xf32>,
    return
  }
  func.func @transform_0(%arg0: i32) -> (i32, i32, i32) {
    %c0_i32 = arith.constant 0 : i32
    %c0_i32_0 = arith.constant 0 : i32
    %c0_i32_1 = arith.constant 0 : i32
    return %arg0, %c0_i32, %c0_i32_0 : i32, i32, i32
  }
  func.func @transform_1(%arg0: i32) -> (i32, i32, i32) {
    %c0_i32 = arith.constant 0 : i32
    %c0_i32_0 = arith.constant 0 : i32
    %c0_i32_1 = arith.constant 0 : i32
    return %arg0, %c0_i32, %c0_i32_0 : i32, i32, i32
  }
  func.func @transform_2(%arg0: i32) -> (i32, i32) {
    %c0_i32 = arith.constant 0 : i32
    %c0_i32_0 = arith.constant 0 : i32
    %c0_i32_1 = arith.constant 0 : i32
    return %c0_i32, %c0_i32_0 : i32, i32
  }
  func.func @transform_3(%arg0: i32) -> (i32, i32) {
    %c0_i32 = arith.constant 0 : i32
    %c0_i32_0 = arith.constant 0 : i32
    %c0_i32_1 = arith.constant 0 : i32
    return %c0_i32, %c0_i32_0 : i32, i32
  }
  func.func @transform_4(%arg0: i32) -> (i32, i32) {
    %c0_i32 = arith.constant 0 : i32
    %c0_i32_0 = arith.constant 0 : i32
    %c0_i32_1 = arith.constant 0 : i32
    return %c0_i32, %c0_i32_0 : i32, i32
  }
  func.func @transform_5(%arg0: i32) -> (i32, i32, i32) {
    %c0_i32 = arith.constant 0 : i32
    %c0_i32_0 = arith.constant 0 : i32
    %c0_i32_1 = arith.constant 0 : i32
    return %arg0, %c0_i32, %c0_i32_0 : i32, i32, i32
  }
}

</mosaic_0001>

<sc_bundles>
// kernel: kernel.12.cloned.1.call-start
scs
__scs_entry_jumppad:
0x0: {  	(pc) =	sbr.rel $0x88, $3  }
0x1: {  	(tag) =	ssettag $0x0;
	lr =	simm.s32 $0x1  }
0x2: {  	[smem:$0x3F6E] =	sst lr;
	_ =	strace $0xD0000000  }
0x3: {  	_ = 	snop  }
0x4: {  	_ = 	snop  }
0x5: {  	_ = 	snop  }
0x6: {  	_ = 	snop  }
0x7: {  	_ = 	snop  }
__scs_overlays_trampoline_lowered:
0x8: {  	[smem:$0x3F7D] =	sst s0  }
0x9: {  	[smem:$0x3F7E] =	sst s1  }
0xa: {  	[smem:$0x3F7F] =	sst s2  }
0xb: {  	[smem:$0x3F80] =	sst s3  }
0xc: {  	[smem:$0x3F81] =	sst s4  }
0xd: {  	[smem:$0x3F82] =	sst s5  }
0xe: {  	[smem:$0x3F83] =	sst s6  }
0xf: {  	[smem:$0x3F84] =	sst s7  }
0x10: {  	[smem:$0x3F85] =	sst s8  }
0x11: {  	[smem:$0x3F86] =	sst s9;
	s0 =	simm.s32 @!p0 $0x0  }
0x12: {  	s1 =	sld [smem:$0x3F6C];
	s0 =	simm.s32 @p0 $0x1  }
0x13: {  	[smem:$0x3F87] =	sst s0;
	s0 =	simm.s32 @!p1 $0x0  }
0x14: {  	s2 =	sld [smem:$0x3F6B];
	s0 =	simm.s32 @p1 $0x1  }
0x15: {  	[smem:$0x3F88] =	sst s0;
	s0 =	simm.s32 @!p2 $0x0  }
0x16: {  	s3 =	sld [smem:$0x3FDB];
	s0 =	simm.s32 @p2 $0x1  }
0x17: {  	s4 =	simm.s32 $0x1BF5;
	[smem:$0x3F8A] =	sst s0  }
0x18: {  	s0 =	sld [smem:$0x3F6D];
	_ =	swait.ge [sflag:s4], $0x0  }
0x19: {  	s7 =	sld [smem:$0x3F6E]  }
0x1a: {  	s8 =	sadd.s32 $0xFFFFE003, lr  }
0x1b: {  	s9 =	sadd.s32 $0xFFFFFEF7, lr;
	s5 =	simm.s32 $0xFFFFFFFF;
	p2 =	slt.u32 s8, $0xFFFFF086  }
0x1c: {  	p1 =	slt.u32 s9, $0xF7A;
	s5 =	simm.s32 @!p2 $0x0  }
0x1d: {  	s5 =	simm.s32 @p1 $0x1;
	p0 =	seq.s32 s7, s2  }
0x1e: {  	s7 =	smul.u32 @!p0 $0xF7A, s2;
	p2 =	seq.s32 @!p0 s5, $0x0  }
0x1f: {  	s9 =	smul.u32 $0xF7A, s1;
	s8 =	simm.s32 @!p0 $0x1BF5;
	p2 =	por !p2, p0  }
0x20: {  	[sflag:s8] =	ssyncset.s32 @!p0 $0xFFFFF086;
	s6 =	sadd.s32 @!p0 s3, s7;
	s7 =	simm.s32 @!p0 $0x108  }
0x21: {  	s3 =	sadd.s32 s3, s9;
	s6 =	sadd.s32 @!p0 $0x88, s6;
	s7 =	simm.s32 @p2 $0x1082  }
0x22: {  	[simem:s7], [sflag:s8] =	dma.local @!p0 [hbm:s6], $0xF7A  }
0x23: {  	s9 =	sor.u32 $0xD0000000, s2;
	s6 =	simm.s32 $0x108;
	_ =	swait.ge @!p0 [sflag:s8], $0x0  }
0x24: {  	s3 =	sadd.s32 $0x88, s3;
	s6 =	simm.s32 @!p1 $0x1082;
	[sflag:s4] =	ssyncset.s32 $0xFFFFF086  }
0x25: {  	[simem:s6], [sflag:s4] =	dma.local [hbm:s3], $0xF7A  }
0x26: {  	[smem:$0x3F6E] =	sst s1;
	(tag) =	ssettag s2;
	_ =	strace s9  }
0x27: {  	s1 =	sld [smem:$0x3F7E]  }
0x28: {  	s2 =	sld [smem:$0x3F7F]  }
0x29: {  	s4 =	sld [smem:$0x3F81]  }
0x2a: {  	p0 =	seq.s32 s5, $0x0;
	s5 =	sld [smem:$0x3F82]  }
0x2b: {  	s6 =	sld [smem:$0x3F83]  }
0x2c: {  	s7 =	sld [smem:$0x3F84]  }
0x2d: {  	s3 =	simm.s32 $0x108;
	s8 =	sld [smem:$0x3F85]  }
0x2e: {  	s3 =	simm.s32 @!p0 $0x1082;
	s9 =	sld [smem:$0x3F86]  }
0x2f: {  	lr =	sadd.s32 s0, s3;
	s0 =	sld [smem:$0x3F7D]  }
0x30: {  	s3 =	sld [smem:$0x3F80]  }
0x31: {  	[smem:$0x3F89] =	sst s10  }
0x32: {  	s10 =	sld [smem:$0x3F87];
	_ =	sdelay $0x3  }
0x33: {  	p0 =	seq.s32 s10, $0x1;
	s10 =	sld [smem:$0x3F89];
	_ =	sdelay $0x3  }
0x34: {  	[smem:$0x3F89] =	sst s10  }
0x35: {  	s10 =	sld [smem:$0x3F88];
	_ =	sdelay $0x3  }
0x36: {  	p1 =	seq.s32 s10, $0x1;
	s10 =	sld [smem:$0x3F89];
	_ =	sdelay $0x3  }
0x37: {  	[smem:$0x3F89] =	sst s10  }
0x38: {  	s10 =	sld [smem:$0x3F8A]  }
0x39: {  	_ = 	snop;
	(pc) =	sbr.ind lr, $3  }
0x3a: {  	_ = 	snop  }
0x3b: {  	_ = 	snop  }
0x3c: {  	p2 =	seq.s32 s10, $0x1;
	s10 =	sld [smem:$0x3F89]  }
0x3d: {  	_ =	shalt  }
0x3e: {  	_ =	shalt  }
0x3f: {  	_ =	shalt  }
0x40: {  	_ =	shalt  }
0x41: {  	_ =	shalt  }
0x42: {  	_ =	shalt  }
0x43: {  	_ =	shalt  }
0x44: {  	_ =	shalt  }
0x45: {  	_ =	shalt  }
0x46: {  	_ =	shalt  }
0x47: {  	_ =	shalt  }
0x48: {  	_ =	shalt  }
0x49: {  	_ =	shalt  }
0x4a: {  	_ =	shalt  }
0x4b: {  	_ =	shalt  }
0x4c: {  	_ =	shalt  }
0x4d: {  	_ =	shalt  }
0x4e: {  	_ =	shalt  }
0x4f: {  	_ =	shalt  }
0x50: {  	_ =	shalt  }
0x51: {  	_ =	shalt  }
0x52: {  	_ =	shalt  }
0x53: {  	_ =	shalt  }
0x54: {  	_ =	shalt  }
0x55: {  	_ =	shalt  }
0x56: {  	_ =	shalt  }
0x57: {  	_ =	shalt  }
0x58: {  	_ =	shalt  }
0x59: {  	_ =	shalt  }
0x5a: {  	_ =	shalt  }
0x5b: {  	_ =	shalt  }
0x5c: {  	_ =	shalt  }
0x5d: {  	_ =	shalt  }
0x5e: {  	_ =	shalt  }
0x5f: {  	_ =	shalt  }
0x60: {  	_ =	shalt  }
0x61: {  	_ =	shalt  }
0x62: {  	_ =	shalt  }
0x63: {  	_ =	shalt  }
0x64: {  	_ =	shalt  }
0x65: {  	_ =	shalt  }
0x66: {  	_ =	shalt  }
0x67: {  	_ =	shalt  }
0x68: {  	_ =	shalt  }
0x69: {  	_ =	shalt  }
0x6a: {  	_ =	shalt  }
0x6b: {  	_ =	shalt  }
0x6c: {  	_ =	shalt  }
0x6d: {  	_ =	shalt  }
0x6e: {  	_ =	shalt  }
0x6f: {  	_ =	shalt  }
0x70: {  	_ =	shalt  }
0x71: {  	_ =	shalt  }
0x72: {  	_ =	shalt  }
0x73: {  	_ =	shalt  }
0x74: {  	_ =	shalt  }
0x75: {  	_ =	shalt  }
0x76: {  	_ =	shalt  }
0x77: {  	_ =	shalt  }
0x78: {  	_ =	shalt  }
0x79: {  	_ =	shalt  }
0x7a: {  	_ =	shalt  }
0x7b: {  	_ =	shalt  }
0x7c: {  	_ =	shalt  }
0x7d: {  	_ =	shalt  }
0x7e: {  	_ =	shalt  }
0x7f: {  	_ =	shalt  }
0x80: {  	_ =	shalt  }
0x81: {  	_ =	shalt  }
0x82: {  	_ =	shalt  }
0x83: {  	_ =	shalt  }
0x84: {  	_ =	shalt  }
0x85: {  	_ =	shalt  }
0x86: {  	_ =	shalt  }
0x87: {  	_ =	shalt  }
.Lfunc_end0:
.L_simem_size_0:
called_computation_lowered:
.L_overlay_start_0:
0x88: {  	s2 =	sld [smem:$0x3FD9]  }
0x89: {  	s3 =	sld [smem:$0x3FFE];
	_ =	sdelay $0x1  }
0x8a: {  	s1 =	srdreg.scid  }
0x8b: {  	s0 =	sand.u32 $0x1, s1  }
0x8c: {  	s14 =	sshll.u32 s0, $0xA;
	s2 =	sadd.s32 s3, s2  }
0x8d: {  	s2 =	sadd.s32 s2, s14  }
0x8e: {  	[smem:$0x3F95] =	sst s2  }
0x8f: {  	_ = 	snop  }
0x90: {  	s2 =	sld [smem:$0x3FD0];
	_ =	sdelay $0x2  }
0x91: {  	s15 =	simm.s32 $0xA;
	s4 =	simm.s32 $0x10  }
0x92: {  	[smem:s4], [sflag:s15] =	dma.local [hbm:s2], $0x1  }
0x93: {  	_ =	swait.eq [sflag:s15], $0x1  }
0x94: {  	[sflag:s15] =	ssyncset.done $0x0  }
0x95: {  	[sflag:s15] =	ssyncadd.s32 $0xFFFFFFFF  }
0x96: {  	s16 =	sld [smem:$0x11];
	(tm) =	ssettm $0x1  }
0x97: {  	s17 =	sld [smem:$0x3FFB];
	_ =	sdelay $0x3  }
0x98: {  	_ =	strace s17  }
0x99: {  	s3 =	sld [smem:$0x3FFC];
	_ =	sdelay $0x3  }
0x9a: {  	_ =	strace s3  }
0x9b: {  	s3 =	sld [smem:$0x3FFD];
	_ =	sdelay $0x3  }
0x9c: {  	_ =	strace s3  }
0x9d: {  	_ =	strace $0x8FFFFFFF  }
0x9e: {  	s18 =	sld [smem:$0x3FDB];
	_ =	sdelay $0x1  }
0x9f: {  	s19 =	simm.s32 $_scs_section_size  }
0xa0: {  	s5 =	simm.s32 $_size__tile_overlayer_lowered;
	s6 =	simm.s32 $_tile_overlayer_lowered  }
0xa1: {  	s22 =	simm.s32 $0x1BFF;
	s21 =	sshll.u32 s6, $0x1;
	s3 =	sadd.s32 s19, s18  }
0xa2: {  	s7 =	simm.s32 $0x0;
	s20 =	sshll.u32 s5, $0x1;
	s5 =	sadd.s32 s21, s3  }
0xa3: {  	[timem:s7], [sflag:s22] =	dma.local [hbm:s5], s20  }
0xa4: {  	_ =	swait.ge [sflag:s22], s20  }
0xa5: {  	s4 =	ssub.s32 $0x0, s20;
	[sflag:s22] =	ssyncset.done $0x0  }
0xa6: {  	[sflag:s22] =	ssyncadd.s32 s4;
	_ =	sdelay $0x1  }
0xa7: {  	s23 =	simm.s32 $0x1B8B  }
0xa8: {  	_ =	swait.ge [sflag:s23], $0x1  }
0xa9: {  	[sflag:s23] =	ssyncset.done $0x0  }
0xaa: {  	s25 =	simm.s32 $0x1B8E;
	s24 =	sld [smem:$0x3FFE];
	[sflag:s23] =	ssyncadd.s32 $0xFFFFFFFF  }
0xab: {  	s26 =	simm.s32 $execute0_lowered;
	[smem:$0x3FD2] =	sst s25  }
0xac: {  	s5 =	sshll.u32 s26, $0x1;
	_ =	strace $0x80000046;
	[dreg:$0x1] =	wrdreg $0xFFFFFFFF  }
0xad: {  	s28 =	simm.s32 $_size_execute0_lowered;
	s3 =	sadd.s32 s3, s5;
	[dreg:$0x0] =	wrdreg $0x0  }
0xae: {  	s5 =	sshll.u32 s28, $0x1;
	[dreg:$0x2] =	wrdreg s3  }
0xaf: {  	[dreg:$0x3] =	wrdreg s5  }
0xb0: {  	[dreg:$0x4] =	wrdreg $0xC0  }
0xb1: {  	_ =	task [dreg:s7], $0x5FFFF  }
0xb2: {  	[dreg:$0x1] =	wrdreg $0xFFFFFFFF  }
0xb3: {  	[dreg:$0x0] =	wrdreg $0x60  }
0xb4: {  	[dreg:$0x2] =	wrdreg s16  }
0xb5: {  	[dreg:$0x3] =	wrdreg s24  }
0xb6: {  	[dreg:$0x4] =	wrdreg $0x9  }
0xb7: {  	_ =	task.clear_ibuf [dreg:s7], $0x5FFFF;
	_ =	strace $0x90000046  }
0xb8: {  	s29 =	simm.s32 $0x9;
	_ =	strace $0x80000048  }
0xb9: {  	_ =	swait.ge [sflag:s29], $0x1  }
0xba: {  	[sflag:s29] =	ssyncadd.s32 $0xFFFFFFFF  }
0xbb: {  	_ =	strace $0x90000048  }
0xbc: {  	_ =	sfence  }
0xbd: {  	s30 =	sld [smem:$0x0];
	_ =	sdelay $0x2  }
0xbe: {  	s31 =	sshll.u32 s1, $0xD;
	s1 =	sshrl.u32 s1, $0x2  }
0xbf: {  	s3 =	sand.u32 $0x4000, s31;
	s1 =	sadd.s32 s1, s30  }
0xc0: {  	s0 =	sor.u32 s3, s0;
	s1 =	sshll.u32 s1, $0x11  }
0xc1: {  	s0 =	sor.u32 s1, s0  }
0xc2: {  	s0 =	sadd.s32 $0x8F2B, s0  }
0xc3: {  	[sflag:s0] =	ssyncadd.remote.s32 $0x1  }
0xc4: {  	_ =	sfence.sel $0xFFFF  }
0xc5: {  	[dreg:$0x0] =	wrdreg $0xFFFFFFFF;
	(pc) =	sbr.abs _section_cstart, $3  }
0xc6: {  	[dreg:$0x1] =	wrdreg $0xFFFFFFFF  }
0xc7: {  	_ =	task.clear_ibuf [dreg:s7], $0x2FFFF;
	_ =	strace $0x9FFFFFFF  }
0xc8: {  	(tm) =	ssettm $0x7FFFFFFF  }
0xc9: {  	_ =	shalt  }
tec
execute0_lowered:
.L_overlay_start_1:
0x0: {  	(tag) =	ssettag $0x1  }
0x1: {  	s2 =	rddreg [dreg:$0x0]  }
0x2: {  	s4 =	rddreg [dreg:$0x1]  }
0x3: {  	s0 =	rddreg [dreg:$0x2];
	s1 =	stileid.u32  }
0x4: {  	s5 =	srdreg.scid;
	s3 =	simm.s32 $0x0;
	s6 =	smul.u32 $0x6000, s1  }
0x5: {  	s10 =	simm.s32 $0x0;
	s5 =	sand.u32 $0x1, s5;
	s8 =	smul.u32 $0x60000, s1  }
0x6: {  	[smem:$0x7FF] =	sst s3;
	s7 =	smul.u32 $0x3000, s5;
	s9 =	ssub.s32 $0x2, s5  }
0x7: {  	_ =	strace $0x80000047;
	s5 =	smul.u32 $0x30000, s5;
	s31 =	sshrl.u32 s9, $0x1  }
0x8: {  	s8 =	sadd.s32 s8, s4;
	s6 =	sadd.s32 s7, s6;
	s7 =	ssub.s32 s9, s31  }
0x9: {  	s5 =	sadd.s32 s5, s8;
	s8 =	simm.s32 $0x300;
	s6 =	sshrl.u32 s6, $0x3  }
0xa: {  	s9 =	simm.s32 $0x1;
	s5 =	sadd.s32 $0x17800, s5;
	s6 =	sadd.s32 s6, s4  }
0xb: {  	s4 =	smax.u32 s7, $0x1;
	s7 =	simm.s32 $0x2;
	s6 =	sadd.s32 $0xB800, s6  }
.LBB2_1:
0xc: {  	s11 =	sadd.s32 $0x0, s6  }
0xd: {  	[tilespmem:s3], [sflag:$0x2] =	stream.linear.gather [hbm4b:s11+s3], $0x300, $0x38;
	[tilespmem:$0x18300] =	vst v63  }
0xe: {  	_ =	swait.ge [sflag:s7], $0x300  }
0xf: {  	[sflag:s7] =	ssyncset.done $0x0  }
0x10: {  	[sflag:s7] =	ssyncadd.s32 $0xFFFFFD00  }
0x11: {  	[tilespmem:s8], [sflag:$0x1] =	stream.indirect.gather [hbm4b:s2+s8], $0x80, s3, s8, $0xb8;
	[tilespmem:$0x18300] =	vst v63  }
0x12: {  	_ =	swait.ge [sflag:s9], $0x18000  }
0x13: {  	[sflag:s9] =	ssyncset.done $0x0  }
0x14: {  	[sflag:s9] =	ssyncadd.s32 $0xFFFE8000  }
0x15: {  	[hbm4b:s5+s3] =	stream.linear.scatter [tilespmem:s8], [sflag:$0x2], $0x18000, $0x38;
	[tilespmem:$0x18300] =	vst v63  }
0x16: {  	s12 =	simm.s32 $0x60;
	_ =	swait.ge [sflag:s7], $0x18000  }
0x17: {  	s13 =	simm.s32 $0xC0;
	s11 =	sadd.s32 $0x3000, s5;
	[sflag:s7] =	ssyncset.done $0x0  }
.LBB2_2:
0x18: {  	s14 =	sadd.s32 s12, s6  }
0x19: {  	[sflag:s7] =	ssyncadd.s32 $0xFFFE8000;
	s12 =	smov.u32 s13;
	s15 =	sadd.s32 $0x60, s13  }
0x1a: {  	[tilespmem:s3], [sflag:$0x2] =	stream.linear.gather [hbm4b:s14+s3], $0x300, $0x38;
	[tilespmem:$0x18300] =	vst v63  }
0x1b: {  	p0 =	sne.s32 s13, $0x5A0;
	_ =	swait.ge [sflag:s7], $0x300  }
0x1c: {  	[sflag:s7] =	ssyncset.done $0x0  }
0x1d: {  	[sflag:s7] =	ssyncadd.s32 $0xFFFFFD00  }
0x1e: {  	[tilespmem:s8], [sflag:$0x1] =	stream.indirect.gather [hbm4b:s2+s8], $0x80, s3, s8, $0xb8;
	[tilespmem:$0x18300] =	vst v63  }
0x1f: {  	_ =	swait.ge [sflag:s9], $0x18000  }
.Ltmp0:
0x20: {  	[sflag:s9] =	ssyncset.done $0x0;
	(pc) =	sbr.rel @p0 .LBB2_2-.Ltmp0, $4  }
0x21: {  	[sflag:s9] =	ssyncadd.s32 $0xFFFE8000  }
0x22: {  	[hbm4b:s11+s3] =	stream.linear.scatter [tilespmem:s8], [sflag:$0x2], $0x18000, $0x38;
	[tilespmem:$0x18300] =	vst v63  }
0x23: {  	_ =	swait.ge [sflag:s7], $0x18000  }
0x24: {  	s13 =	smov.u32 s15;
	s11 =	sadd.s32 $0x3000, s11;
	[sflag:s7] =	ssyncset.done $0x0  }
0x25: {  	s12 =	sadd.s32 s12, s6;
	[sflag:s7] =	ssyncadd.s32 $0xFFFE8000  }
0x26: {  	[tilespmem:s3], [sflag:$0x2] =	stream.linear.gather [hbm4b:s12+s3], $0x300, $0x38;
	[tilespmem:$0x18300] =	vst v63  }
0x27: {  	_ =	swait.ge [sflag:s7], $0x300  }
0x28: {  	[sflag:s7] =	ssyncset.done $0x0  }
0x29: {  	[sflag:s7] =	ssyncadd.s32 $0xFFFFFD00  }
0x2a: {  	[tilespmem:s8], [sflag:$0x1] =	stream.indirect.gather [hbm4b:s2+s8], $0x80, s3, s8, $0xb8;
	[tilespmem:$0x18300] =	vst v63  }
0x2b: {  	s10 =	sadd.s32 $0x1, s10;
	_ =	swait.ge [sflag:s9], $0x18000  }
0x2c: {  	p0 =	sne.s32 s10, s4;
	[sflag:s9] =	ssyncset.done $0x0  }
.Ltmp1:
0x2d: {  	[sflag:s9] =	ssyncadd.s32 $0xFFFE8000;
	(pc) =	sbr.rel @p0 .LBB2_1-.Ltmp1, $4  }
0x2e: {  	[hbm4b:s11+s3] =	stream.linear.scatter [tilespmem:s8], [sflag:$0x2], $0x18000, $0x38;
	[tilespmem:$0x18300] =	vst v63  }
0x2f: {  	_ =	swait.ge [sflag:s7], $0x18000  }
0x30: {  	[sflag:s7] =	ssyncset.done $0x0  }
0x31: {  	[sflag:s7] =	ssyncadd.s32 $0xFFFE8000  }
0x32: {  	_ =	sfence.sel $0x180000  }
0x33: {  	[bflag:$0x0] =	sbarrier.arrive $0xFFFF  }
0x34: {  	p0 =	sne.s32 s1, $0x0;
	_ =	strace $0x90000047  }
0x35: {  	s0 =	sadd.s32 @!p0 $0x100000, s0;
	[bflag:$0x2] =	sbarrier.arrive $0xFFFF  }
0x36: {  	[sflag:s0] =	ssyncadd.tile.s32 @!p0 $0x1;
	_ =	shalt  }
.Lfunc_end2:
_tile_overlayer_lowered:
.L_overlay_start_2:
0x37: {  	(tag) =	ssettag $0x2  }
0x38: {  	s0 =	rddreg [dreg:$0x0];
	s2 =	stileid.u32  }
0x39: {  	s1 =	rddreg [dreg:$0x1];
	p0 =	sne.s32 s2, $0x0  }
0x3a: {  	s3 =	rddreg [dreg:$0x2];
	[bflag:$0x3] =	sbarrier.arrive $0xFFFF;
	s2 =	simm.s32 @!p0 $0x1C02  }
0x3b: {  	[timem:s3], [sflag:s2] =	dma.local @!p0 [hbm:s0], s1  }
0x3c: {  	s0 =	simm.s32 @!p0 $0x2  }
0x3d: {  	_ =	swait.ge @!p0 [sflag:s0], s1  }
0x3e: {  	s1 =	ssub.s32 @!p0 $0x0, s1;
	[sflag:s0] =	ssyncset.done @!p0 $0x0  }
0x3f: {  	[sflag:s0] =	ssyncadd.s32 @!p0 s1  }
0x40: {  	[bflag:$0x3] =	sbarrier.arrive $0xFFFF  }
0x41: {  	_ =	shalt  }

// kernel: kernel.15.cloned.1.call-start
scs
__scs_entry_jumppad:
0x0: {  	(pc) =	sbr.rel $0x88, $3  }
0x1: {  	(tag) =	ssettag $0x0;
	lr =	simm.s32 $0x1  }
0x2: {  	[smem:$0x3F6E] =	sst lr;
	_ =	strace $0xD0000000  }
0x3: {  	_ = 	snop  }
0x4: {  	_ = 	snop  }
0x5: {  	_ = 	snop  }
0x6: {  	_ = 	snop  }
0x7: {  	_ = 	snop  }
__scs_overlays_trampoline_lowered:
0x8: {  	[smem:$0x3F7D] =	sst s0  }
0x9: {  	[smem:$0x3F7E] =	sst s1  }
0xa: {  	[smem:$0x3F7F] =	sst s2  }
0xb: {  	[smem:$0x3F80] =	sst s3  }
0xc: {  	[smem:$0x3F81] =	sst s4  }
0xd: {  	[smem:$0x3F82] =	sst s5  }
0xe: {  	[smem:$0x3F83] =	sst s6  }
0xf: {  	[smem:$0x3F84] =	sst s7  }
0x10: {  	[smem:$0x3F85] =	sst s8  }
0x11: {  	[smem:$0x3F86] =	sst s9;
	s0 =	simm.s32 @!p0 $0x0  }
0x12: {  	s1 =	sld [smem:$0x3F6C];
	s0 =	simm.s32 @p0 $0x1  }
0x13: {  	[smem:$0x3F87] =	sst s0;
	s0 =	simm.s32 @!p1 $0x0  }
0x14: {  	s2 =	sld [smem:$0x3F6B];
	s0 =	simm.s32 @p1 $0x1  }
0x15: {  	[smem:$0x3F88] =	sst s0;
	s0 =	simm.s32 @!p2 $0x0  }
0x16: {  	s3 =	sld [smem:$0x3FDB];
	s0 =	simm.s32 @p2 $0x1  }
0x17: {  	s4 =	simm.s32 $0x1BF5;
	[smem:$0x3F8A] =	sst s0  }
0x18: {  	s0 =	sld [smem:$0x3F6D];
	_ =	swait.ge [sflag:s4], $0x0  }
0x19: {  	s7 =	sld [smem:$0x3F6E]  }
0x1a: {  	s8 =	sadd.s32 $0xFFFFE003, lr  }
0x1b: {  	s9 =	sadd.s32 $0xFFFFFEF7, lr;
	s5 =	simm.s32 $0xFFFFFFFF;
	p2 =	slt.u32 s8, $0xFFFFF086  }
0x1c: {  	p1 =	slt.u32 s9, $0xF7A;
	s5 =	simm.s32 @!p2 $0x0  }
0x1d: {  	s5 =	simm.s32 @p1 $0x1;
	p0 =	seq.s32 s7, s2  }
0x1e: {  	s7 =	smul.u32 @!p0 $0xF7A, s2;
	p2 =	seq.s32 @!p0 s5, $0x0  }
0x1f: {  	s9 =	smul.u32 $0xF7A, s1;
	s8 =	simm.s32 @!p0 $0x1BF5;
	p2 =	por !p2, p0  }
0x20: {  	[sflag:s8] =	ssyncset.s32 @!p0 $0xFFFFF086;
	s6 =	sadd.s32 @!p0 s3, s7;
	s7 =	simm.s32 @!p0 $0x108  }
0x21: {  	s3 =	sadd.s32 s3, s9;
	s6 =	sadd.s32 @!p0 $0x88, s6;
	s7 =	simm.s32 @p2 $0x1082  }
0x22: {  	[simem:s7], [sflag:s8] =	dma.local @!p0 [hbm:s6], $0xF7A  }
0x23: {  	s9 =	sor.u32 $0xD0000000, s2;
	s6 =	simm.s32 $0x108;
	_ =	swait.ge @!p0 [sflag:s8], $0x0  }
0x24: {  	s3 =	sadd.s32 $0x88, s3;
	s6 =	simm.s32 @!p1 $0x1082;
	[sflag:s4] =	ssyncset.s32 $0xFFFFF086  }
0x25: {  	[simem:s6], [sflag:s4] =	dma.local [hbm:s3], $0xF7A  }
0x26: {  	[smem:$0x3F6E] =	sst s1;
	(tag) =	ssettag s2;
	_ =	strace s9  }
0x27: {  	s1 =	sld [smem:$0x3F7E]  }
0x28: {  	s2 =	sld [smem:$0x3F7F]  }
0x29: {  	s4 =	sld [smem:$0x3F81]  }
0x2a: {  	p0 =	seq.s32 s5, $0x0;
	s5 =	sld [smem:$0x3F82]  }
0x2b: {  	s6 =	sld [smem:$0x3F83]  }
0x2c: {  	s7 =	sld [smem:$0x3F84]  }
0x2d: {  	s3 =	simm.s32 $0x108;
	s8 =	sld [smem:$0x3F85]  }
0x2e: {  	s3 =	simm.s32 @!p0 $0x1082;
	s9 =	sld [smem:$0x3F86]  }
0x2f: {  	lr =	sadd.s32 s0, s3;
	s0 =	sld [smem:$0x3F7D]  }
0x30: {  	s3 =	sld [smem:$0x3F80]  }
0x31: {  	[smem:$0x3F89] =	sst s10  }
0x32: {  	s10 =	sld [smem:$0x3F87];
	_ =	sdelay $0x3  }
0x33: {  	p0 =	seq.s32 s10, $0x1;
	s10 =	sld [smem:$0x3F89];
	_ =	sdelay $0x3  }
0x34: {  	[smem:$0x3F89] =	sst s10  }
0x35: {  	s10 =	sld [smem:$0x3F88];
	_ =	sdelay $0x3  }
0x36: {  	p1 =	seq.s32 s10, $0x1;
	s10 =	sld [smem:$0x3F89];
	_ =	sdelay $0x3  }
0x37: {  	[smem:$0x3F89] =	sst s10  }
0x38: {  	s10 =	sld [smem:$0x3F8A]  }
0x39: {  	_ = 	snop;
	(pc) =	sbr.ind lr, $3  }
0x3a: {  	_ = 	snop  }
0x3b: {  	_ = 	snop  }
0x3c: {  	p2 =	seq.s32 s10, $0x1;
	s10 =	sld [smem:$0x3F89]  }
0x3d: {  	_ =	shalt  }
0x3e: {  	_ =	shalt  }
0x3f: {  	_ =	shalt  }
0x40: {  	_ =	shalt  }
0x41: {  	_ =	shalt  }
0x42: {  	_ =	shalt  }
0x43: {  	_ =	shalt  }
0x44: {  	_ =	shalt  }
0x45: {  	_ =	shalt  }
0x46: {  	_ =	shalt  }
0x47: {  	_ =	shalt  }
0x48: {  	_ =	shalt  }
0x49: {  	_ =	shalt  }
0x4a: {  	_ =	shalt  }
0x4b: {  	_ =	shalt  }
0x4c: {  	_ =	shalt  }
0x4d: {  	_ =	shalt  }
0x4e: {  	_ =	shalt  }
0x4f: {  	_ =	shalt  }
0x50: {  	_ =	shalt  }
0x51: {  	_ =	shalt  }
0x52: {  	_ =	shalt  }
0x53: {  	_ =	shalt  }
0x54: {  	_ =	shalt  }
0x55: {  	_ =	shalt  }
0x56: {  	_ =	shalt  }
0x57: {  	_ =	shalt  }
0x58: {  	_ =	shalt  }
0x59: {  	_ =	shalt  }
0x5a: {  	_ =	shalt  }
0x5b: {  	_ =	shalt  }
0x5c: {  	_ =	shalt  }
0x5d: {  	_ =	shalt  }
0x5e: {  	_ =	shalt  }
0x5f: {  	_ =	shalt  }
0x60: {  	_ =	shalt  }
0x61: {  	_ =	shalt  }
0x62: {  	_ =	shalt  }
0x63: {  	_ =	shalt  }
0x64: {  	_ =	shalt  }
0x65: {  	_ =	shalt  }
0x66: {  	_ =	shalt  }
0x67: {  	_ =	shalt  }
0x68: {  	_ =	shalt  }
0x69: {  	_ =	shalt  }
0x6a: {  	_ =	shalt  }
0x6b: {  	_ =	shalt  }
0x6c: {  	_ =	shalt  }
0x6d: {  	_ =	shalt  }
0x6e: {  	_ =	shalt  }
0x6f: {  	_ =	shalt  }
0x70: {  	_ =	shalt  }
0x71: {  	_ =	shalt  }
0x72: {  	_ =	shalt  }
0x73: {  	_ =	shalt  }
0x74: {  	_ =	shalt  }
0x75: {  	_ =	shalt  }
0x76: {  	_ =	shalt  }
0x77: {  	_ =	shalt  }
0x78: {  	_ =	shalt  }
0x79: {  	_ =	shalt  }
0x7a: {  	_ =	shalt  }
0x7b: {  	_ =	shalt  }
0x7c: {  	_ =	shalt  }
0x7d: {  	_ =	shalt  }
0x7e: {  	_ =	shalt  }
0x7f: {  	_ =	shalt  }
0x80: {  	_ =	shalt  }
0x81: {  	_ =	shalt  }
0x82: {  	_ =	shalt  }
0x83: {  	_ =	shalt  }
0x84: {  	_ =	shalt  }
0x85: {  	_ =	shalt  }
0x86: {  	_ =	shalt  }
0x87: {  	_ =	shalt  }
.Lfunc_end0:
.L_simem_size_0:
called_computation.1_lowered:
.L_overlay_start_0:
0x88: {  	s2 =	sld [smem:$0x3FD9]  }
0x89: {  	s3 =	sld [smem:$0x3FFE];
	_ =	sdelay $0x1  }
0x8a: {  	s1 =	srdreg.scid  }
0x8b: {  	s0 =	sand.u32 $0x1, s1  }
0x8c: {  	s14 =	sshll.u32 s0, $0xA;
	s2 =	sadd.s32 s3, s2  }
0x8d: {  	s2 =	sadd.s32 s2, s14  }
0x8e: {  	[smem:$0x3F95] =	sst s2  }
0x8f: {  	_ = 	snop  }
0x90: {  	s2 =	sld [smem:$0x3FD0];
	_ =	sdelay $0x2  }
0x91: {  	s15 =	simm.s32 $0xA;
	s4 =	simm.s32 $0x10  }
0x92: {  	[smem:s4], [sflag:s15] =	dma.local [hbm:s2], $0x1  }
0x93: {  	_ =	swait.eq [sflag:s15], $0x1  }
0x94: {  	[sflag:s15] =	ssyncset.done $0x0  }
0x95: {  	[sflag:s15] =	ssyncadd.s32 $0xFFFFFFFF  }
0x96: {  	s16 =	sld [smem:$0x11];
	(tm) =	ssettm $0x1  }
0x97: {  	s17 =	sld [smem:$0x3FFB];
	_ =	sdelay $0x3  }
0x98: {  	_ =	strace s17  }
0x99: {  	s3 =	sld [smem:$0x3FFC];
	_ =	sdelay $0x3  }
0x9a: {  	_ =	strace s3  }
0x9b: {  	s3 =	sld [smem:$0x3FFD];
	_ =	sdelay $0x3  }
0x9c: {  	_ =	strace s3  }
0x9d: {  	_ =	strace $0x8FFFFFFF  }
0x9e: {  	s18 =	sld [smem:$0x3FDB];
	_ =	sdelay $0x1  }
0x9f: {  	s19 =	simm.s32 $_scs_section_size  }
0xa0: {  	s5 =	simm.s32 $_size__tile_overlayer_lowered;
	s6 =	simm.s32 $_tile_overlayer_lowered  }
0xa1: {  	s22 =	simm.s32 $0x1BFF;
	s21 =	sshll.u32 s6, $0x1;
	s3 =	sadd.s32 s19, s18  }
0xa2: {  	s7 =	simm.s32 $0x0;
	s20 =	sshll.u32 s5, $0x1;
	s5 =	sadd.s32 s21, s3  }
0xa3: {  	[timem:s7], [sflag:s22] =	dma.local [hbm:s5], s20  }
0xa4: {  	_ =	swait.ge [sflag:s22], s20  }
0xa5: {  	s4 =	ssub.s32 $0x0, s20;
	[sflag:s22] =	ssyncset.done $0x0  }
0xa6: {  	[sflag:s22] =	ssyncadd.s32 s4;
	_ =	sdelay $0x1  }
0xa7: {  	s23 =	simm.s32 $0x1B8B  }
0xa8: {  	_ =	swait.ge [sflag:s23], $0x1  }
0xa9: {  	[sflag:s23] =	ssyncset.done $0x0  }
0xaa: {  	s25 =	simm.s32 $0x1B8E;
	s24 =	sld [smem:$0x3FFE];
	[sflag:s23] =	ssyncadd.s32 $0xFFFFFFFF  }
0xab: {  	s26 =	simm.s32 $execute0_lowered;
	[smem:$0x3FD2] =	sst s25  }
0xac: {  	s5 =	sshll.u32 s26, $0x1;
	_ =	strace $0x80000049;
	[dreg:$0x1] =	wrdreg $0xFFFFFFFF  }
0xad: {  	s28 =	simm.s32 $_size_execute0_lowered;
	s3 =	sadd.s32 s3, s5;
	[dreg:$0x0] =	wrdreg $0x0  }
0xae: {  	s5 =	sshll.u32 s28, $0x1;
	[dreg:$0x2] =	wrdreg s3  }
0xaf: {  	[dreg:$0x3] =	wrdreg s5  }
0xb0: {  	[dreg:$0x4] =	wrdreg $0xC0  }
0xb1: {  	_ =	task [dreg:s7], $0x5FFFF  }
0xb2: {  	[dreg:$0x1] =	wrdreg $0xFFFFFFFF  }
0xb3: {  	[dreg:$0x0] =	wrdreg $0x60  }
0xb4: {  	[dreg:$0x2] =	wrdreg s16  }
0xb5: {  	[dreg:$0x3] =	wrdreg s24  }
0xb6: {  	[dreg:$0x4] =	wrdreg $0x9  }
0xb7: {  	_ =	task.clear_ibuf [dreg:s7], $0x5FFFF;
	_ =	strace $0x90000049  }
0xb8: {  	s29 =	simm.s32 $0x9;
	_ =	strace $0x8000004B  }
0xb9: {  	_ =	swait.ge [sflag:s29], $0x1  }
0xba: {  	[sflag:s29] =	ssyncadd.s32 $0xFFFFFFFF  }
0xbb: {  	_ =	strace $0x9000004B  }
0xbc: {  	_ =	sfence  }
0xbd: {  	s30 =	sld [smem:$0x0];
	_ =	sdelay $0x2  }
0xbe: {  	s31 =	sshll.u32 s1, $0xD;
	s1 =	sshrl.u32 s1, $0x2  }
0xbf: {  	s3 =	sand.u32 $0x4000, s31;
	s1 =	sadd.s32 s1, s30  }
0xc0: {  	s0 =	sor.u32 s3, s0;
	s1 =	sshll.u32 s1, $0x11  }
0xc1: {  	s0 =	sor.u32 s1, s0  }
0xc2: {  	s0 =	sadd.s32 $0x8F2B, s0  }
0xc3: {  	[sflag:s0] =	ssyncadd.remote.s32 $0x1  }
0xc4: {  	_ =	sfence.sel $0xFFFF  }
0xc5: {  	[dreg:$0x0] =	wrdreg $0xFFFFFFFF;
	(pc) =	sbr.abs _section_cstart, $3  }
0xc6: {  	[dreg:$0x1] =	wrdreg $0xFFFFFFFF  }
0xc7: {  	_ =	task.clear_ibuf [dreg:s7], $0x2FFFF;
	_ =	strace $0x9FFFFFFF  }
0xc8: {  	(tm) =	ssettm $0x7FFFFFFF  }
0xc9: {  	_ =	shalt  }
tec
execute0_lowered:
.L_overlay_start_1:
0x0: {  	(tag) =	ssettag $0x1  }
0x1: {  	s2 =	rddreg [dreg:$0x0]  }
0x2: {  	s4 =	rddreg [dreg:$0x1]  }
0x3: {  	s0 =	rddreg [dreg:$0x2];
	s1 =	stileid.u32  }
0x4: {  	s5 =	srdreg.scid;
	s3 =	simm.s32 $0x0;
	s6 =	smul.u32 $0x6000, s1  }
0x5: {  	s10 =	simm.s32 $0x0;
	s5 =	sand.u32 $0x1, s5;
	s8 =	smul.u32 $0x60000, s1  }
0x6: {  	[smem:$0x7FF] =	sst s3;
	s7 =	smul.u32 $0x3000, s5;
	s9 =	ssub.s32 $0x2, s5  }
0x7: {  	_ =	strace $0x8000004A;
	s5 =	smul.u32 $0x30000, s5;
	s31 =	sshrl.u32 s9, $0x1  }
0x8: {  	s8 =	sadd.s32 s8, s4;
	s6 =	sadd.s32 s7, s6;
	s7 =	ssub.s32 s9, s31  }
0x9: {  	s5 =	sadd.s32 s5, s8;
	s8 =	simm.s32 $0x300;
	s6 =	sshrl.u32 s6, $0x3  }
0xa: {  	s9 =	simm.s32 $0x1;
	s5 =	sadd.s32 $0x17A00, s5;
	s6 =	sadd.s32 s6, s4  }
0xb: {  	s4 =	smax.u32 s7, $0x1;
	s7 =	simm.s32 $0x2;
	s6 =	sadd.s32 $0xB800, s6  }
.LBB2_1:
0xc: {  	s11 =	sadd.s32 $0x0, s6  }
0xd: {  	[tilespmem:s3], [sflag:$0x2] =	stream.linear.gather [hbm4b:s11+s3], $0x300, $0x38;
	[tilespmem:$0x18300] =	vst v63  }
0xe: {  	_ =	swait.ge [sflag:s7], $0x300  }
0xf: {  	[sflag:s7] =	ssyncset.done $0x0  }
0x10: {  	[sflag:s7] =	ssyncadd.s32 $0xFFFFFD00  }
0x11: {  	[tilespmem:s8], [sflag:$0x1] =	stream.indirect.gather [hbm4b:s2+s8], $0x80, s3, s8, $0xb8;
	[tilespmem:$0x18300] =	vst v63  }
0x12: {  	_ =	swait.ge [sflag:s9], $0x18000  }
0x13: {  	[sflag:s9] =	ssyncset.done $0x0  }
0x14: {  	[sflag:s9] =	ssyncadd.s32 $0xFFFE8000  }
0x15: {  	[hbm4b:s5+s3] =	stream.linear.scatter [tilespmem:s8], [sflag:$0x2], $0x18000, $0x38;
	[tilespmem:$0x18300] =	vst v63  }
0x16: {  	s12 =	simm.s32 $0x60;
	_ =	swait.ge [sflag:s7], $0x18000  }
0x17: {  	s13 =	simm.s32 $0xC0;
	s11 =	sadd.s32 $0x3000, s5;
	[sflag:s7] =	ssyncset.done $0x0  }
.LBB2_2:
0x18: {  	s14 =	sadd.s32 s12, s6  }
0x19: {  	[sflag:s7] =	ssyncadd.s32 $0xFFFE8000;
	s12 =	smov.u32 s13;
	s15 =	sadd.s32 $0x60, s13  }
0x1a: {  	[tilespmem:s3], [sflag:$0x2] =	stream.linear.gather [hbm4b:s14+s3], $0x300, $0x38;
	[tilespmem:$0x18300] =	vst v63  }
0x1b: {  	p0 =	sne.s32 s13, $0x5A0;
	_ =	swait.ge [sflag:s7], $0x300  }
0x1c: {  	[sflag:s7] =	ssyncset.done $0x0  }
0x1d: {  	[sflag:s7] =	ssyncadd.s32 $0xFFFFFD00  }
0x1e: {  	[tilespmem:s8], [sflag:$0x1] =	stream.indirect.gather [hbm4b:s2+s8], $0x80, s3, s8, $0xb8;
	[tilespmem:$0x18300] =	vst v63  }
0x1f: {  	_ =	swait.ge [sflag:s9], $0x18000  }
.Ltmp0:
0x20: {  	[sflag:s9] =	ssyncset.done $0x0;
	(pc) =	sbr.rel @p0 .LBB2_2-.Ltmp0, $4  }
0x21: {  	[sflag:s9] =	ssyncadd.s32 $0xFFFE8000  }
0x22: {  	[hbm4b:s11+s3] =	stream.linear.scatter [tilespmem:s8], [sflag:$0x2], $0x18000, $0x38;
	[tilespmem:$0x18300] =	vst v63  }
0x23: {  	_ =	swait.ge [sflag:s7], $0x18000  }
0x24: {  	s13 =	smov.u32 s15;
	s11 =	sadd.s32 $0x3000, s11;
	[sflag:s7] =	ssyncset.done $0x0  }
0x25: {  	s12 =	sadd.s32 s12, s6;
	[sflag:s7] =	ssyncadd.s32 $0xFFFE8000  }
0x26: {  	[tilespmem:s3], [sflag:$0x2] =	stream.linear.gather [hbm4b:s12+s3], $0x300, $0x38;
	[tilespmem:$0x18300] =	vst v63  }
0x27: {  	_ =	swait.ge [sflag:s7], $0x300  }
0x28: {  	[sflag:s7] =	ssyncset.done $0x0  }
0x29: {  	[sflag:s7] =	ssyncadd.s32 $0xFFFFFD00  }
0x2a: {  	[tilespmem:s8], [sflag:$0x1] =	stream.indirect.gather [hbm4b:s2+s8], $0x80, s3, s8, $0xb8;
	[tilespmem:$0x18300] =	vst v63  }
0x2b: {  	s10 =	sadd.s32 $0x1, s10;
	_ =	swait.ge [sflag:s9], $0x18000  }
0x2c: {  	p0 =	sne.s32 s10, s4;
	[sflag:s9] =	ssyncset.done $0x0  }
.Ltmp1:
0x2d: {  	[sflag:s9] =	ssyncadd.s32 $0xFFFE8000;
	(pc) =	sbr.rel @p0 .LBB2_1-.Ltmp1, $4  }
0x2e: {  	[hbm4b:s11+s3] =	stream.linear.scatter [tilespmem:s8], [sflag:$0x2], $0x18000, $0x38;
	[tilespmem:$0x18300] =	vst v63  }
0x2f: {  	_ =	swait.ge [sflag:s7], $0x18000  }
0x30: {  	[sflag:s7] =	ssyncset.done $0x0  }
0x31: {  	[sflag:s7] =	ssyncadd.s32 $0xFFFE8000  }
0x32: {  	_ =	sfence.sel $0x180000  }
0x33: {  	[bflag:$0x0] =	sbarrier.arrive $0xFFFF  }
0x34: {  	p0 =	sne.s32 s1, $0x0;
	_ =	strace $0x9000004A  }
0x35: {  	s0 =	sadd.s32 @!p0 $0x100000, s0;
	[bflag:$0x2] =	sbarrier.arrive $0xFFFF  }
0x36: {  	[sflag:s0] =	ssyncadd.tile.s32 @!p0 $0x1;
	_ =	shalt  }
.Lfunc_end2:
_tile_overlayer_lowered:
.L_overlay_start_2:
0x37: {  	(tag) =	ssettag $0x2  }
0x38: {  	s0 =	rddreg [dreg:$0x0];
	s2 =	stileid.u32  }
0x39: {  	s1 =	rddreg [dreg:$0x1];
	p0 =	sne.s32 s2, $0x0  }
0x3a: {  	s3 =	rddreg [dreg:$0x2];
	[bflag:$0x3] =	sbarrier.arrive $0xFFFF;
	s2 =	simm.s32 @!p0 $0x1C02  }
0x3b: {  	[timem:s3], [sflag:s2] =	dma.local @!p0 [hbm:s0], s1  }
0x3c: {  	s0 =	simm.s32 @!p0 $0x2  }
0x3d: {  	_ =	swait.ge @!p0 [sflag:s0], s1  }
0x3e: {  	s1 =	ssub.s32 @!p0 $0x0, s1;
	[sflag:s0] =	ssyncset.done @!p0 $0x0  }
0x3f: {  	[sflag:s0] =	ssyncadd.s32 @!p0 s1  }
0x40: {  	[bflag:$0x3] =	sbarrier.arrive $0xFFFF  }
0x41: {  	_ =	shalt  }

// kernel: kernel.18.cloned.1.call-start
scs
__scs_entry_jumppad:
0x0: {  	(pc) =	sbr.rel $0x88, $3  }
0x1: {  	(tag) =	ssettag $0x0;
	lr =	simm.s32 $0x1  }
0x2: {  	[smem:$0x3F6E] =	sst lr;
	_ =	strace $0xD0000000  }
0x3: {  	_ = 	snop  }
0x4: {  	_ = 	snop  }
0x5: {  	_ = 	snop  }
0x6: {  	_ = 	snop  }
0x7: {  	_ = 	snop  }
__scs_overlays_trampoline_lowered:
0x8: {  	[smem:$0x3F7D] =	sst s0  }
0x9: {  	[smem:$0x3F7E] =	sst s1  }
0xa: {  	[smem:$0x3F7F] =	sst s2  }
0xb: {  	[smem:$0x3F80] =	sst s3  }
0xc: {  	[smem:$0x3F81] =	sst s4  }
0xd: {  	[smem:$0x3F82] =	sst s5  }
0xe: {  	[smem:$0x3F83] =	sst s6  }
0xf: {  	[smem:$0x3F84] =	sst s7  }
0x10: {  	[smem:$0x3F85] =	sst s8  }
0x11: {  	[smem:$0x3F86] =	sst s9;
	s0 =	simm.s32 @!p0 $0x0  }
0x12: {  	s1 =	sld [smem:$0x3F6C];
	s0 =	simm.s32 @p0 $0x1  }
0x13: {  	[smem:$0x3F87] =	sst s0;
	s0 =	simm.s32 @!p1 $0x0  }
0x14: {  	s2 =	sld [smem:$0x3F6B];
	s0 =	simm.s32 @p1 $0x1  }
0x15: {  	[smem:$0x3F88] =	sst s0;
	s0 =	simm.s32 @!p2 $0x0  }
0x16: {  	s3 =	sld [smem:$0x3FDB];
	s0 =	simm.s32 @p2 $0x1  }
0x17: {  	s4 =	simm.s32 $0x1BF5;
	[smem:$0x3F8A] =	sst s0  }
0x18: {  	s0 =	sld [smem:$0x3F6D];
	_ =	swait.ge [sflag:s4], $0x0  }
0x19: {  	s7 =	sld [smem:$0x3F6E]  }
0x1a: {  	s8 =	sadd.s32 $0xFFFFE003, lr  }
0x1b: {  	s9 =	sadd.s32 $0xFFFFFEF7, lr;
	s5 =	simm.s32 $0xFFFFFFFF;
	p2 =	slt.u32 s8, $0xFFFFF086  }
0x1c: {  	p1 =	slt.u32 s9, $0xF7A;
	s5 =	simm.s32 @!p2 $0x0  }
0x1d: {  	s5 =	simm.s32 @p1 $0x1;
	p0 =	seq.s32 s7, s2  }
0x1e: {  	s7 =	smul.u32 @!p0 $0xF7A, s2;
	p2 =	seq.s32 @!p0 s5, $0x0  }
0x1f: {  	s9 =	smul.u32 $0xF7A, s1;
	s8 =	simm.s32 @!p0 $0x1BF5;
	p2 =	por !p2, p0  }
0x20: {  	[sflag:s8] =	ssyncset.s32 @!p0 $0xFFFFF086;
	s6 =	sadd.s32 @!p0 s3, s7;
	s7 =	simm.s32 @!p0 $0x108  }
0x21: {  	s3 =	sadd.s32 s3, s9;
	s6 =	sadd.s32 @!p0 $0x88, s6;
	s7 =	simm.s32 @p2 $0x1082  }
0x22: {  	[simem:s7], [sflag:s8] =	dma.local @!p0 [hbm:s6], $0xF7A  }
0x23: {  	s9 =	sor.u32 $0xD0000000, s2;
	s6 =	simm.s32 $0x108;
	_ =	swait.ge @!p0 [sflag:s8], $0x0  }
0x24: {  	s3 =	sadd.s32 $0x88, s3;
	s6 =	simm.s32 @!p1 $0x1082;
	[sflag:s4] =	ssyncset.s32 $0xFFFFF086  }
0x25: {  	[simem:s6], [sflag:s4] =	dma.local [hbm:s3], $0xF7A  }
0x26: {  	[smem:$0x3F6E] =	sst s1;
	(tag) =	ssettag s2;
	_ =	strace s9  }
0x27: {  	s1 =	sld [smem:$0x3F7E]  }
0x28: {  	s2 =	sld [smem:$0x3F7F]  }
0x29: {  	s4 =	sld [smem:$0x3F81]  }
0x2a: {  	p0 =	seq.s32 s5, $0x0;
	s5 =	sld [smem:$0x3F82]  }
0x2b: {  	s6 =	sld [smem:$0x3F83]  }
0x2c: {  	s7 =	sld [smem:$0x3F84]  }
0x2d: {  	s3 =	simm.s32 $0x108;
	s8 =	sld [smem:$0x3F85]  }
0x2e: {  	s3 =	simm.s32 @!p0 $0x1082;
	s9 =	sld [smem:$0x3F86]  }
0x2f: {  	lr =	sadd.s32 s0, s3;
	s0 =	sld [smem:$0x3F7D]  }
0x30: {  	s3 =	sld [smem:$0x3F80]  }
0x31: {  	[smem:$0x3F89] =	sst s10  }
0x32: {  	s10 =	sld [smem:$0x3F87];
	_ =	sdelay $0x3  }
0x33: {  	p0 =	seq.s32 s10, $0x1;
	s10 =	sld [smem:$0x3F89];
	_ =	sdelay $0x3  }
0x34: {  	[smem:$0x3F89] =	sst s10  }
0x35: {  	s10 =	sld [smem:$0x3F88];
	_ =	sdelay $0x3  }
0x36: {  	p1 =	seq.s32 s10, $0x1;
	s10 =	sld [smem:$0x3F89];
	_ =	sdelay $0x3  }
0x37: {  	[smem:$0x3F89] =	sst s10  }
0x38: {  	s10 =	sld [smem:$0x3F8A]  }
0x39: {  	_ = 	snop;
	(pc) =	sbr.ind lr, $3  }
0x3a: {  	_ = 	snop  }
0x3b: {  	_ = 	snop  }
0x3c: {  	p2 =	seq.s32 s10, $0x1;
	s10 =	sld [smem:$0x3F89]  }
0x3d: {  	_ =	shalt  }
0x3e: {  	_ =	shalt  }
0x3f: {  	_ =	shalt  }
0x40: {  	_ =	shalt  }
0x41: {  	_ =	shalt  }
0x42: {  	_ =	shalt  }
0x43: {  	_ =	shalt  }
0x44: {  	_ =	shalt  }
0x45: {  	_ =	shalt  }
0x46: {  	_ =	shalt  }
0x47: {  	_ =	shalt  }
0x48: {  	_ =	shalt  }
0x49: {  	_ =	shalt  }
0x4a: {  	_ =	shalt  }
0x4b: {  	_ =	shalt  }
0x4c: {  	_ =	shalt  }
0x4d: {  	_ =	shalt  }
0x4e: {  	_ =	shalt  }
0x4f: {  	_ =	shalt  }
0x50: {  	_ =	shalt  }
0x51: {  	_ =	shalt  }
0x52: {  	_ =	shalt  }
0x53: {  	_ =	shalt  }
0x54: {  	_ =	shalt  }
0x55: {  	_ =	shalt  }
0x56: {  	_ =	shalt  }
0x57: {  	_ =	shalt  }
0x58: {  	_ =	shalt  }
0x59: {  	_ =	shalt  }
0x5a: {  	_ =	shalt  }
0x5b: {  	_ =	shalt  }
0x5c: {  	_ =	shalt  }
0x5d: {  	_ =	shalt  }
0x5e: {  	_ =	shalt  }
0x5f: {  	_ =	shalt  }
0x60: {  	_ =	shalt  }
0x61: {  	_ =	shalt  }
0x62: {  	_ =	shalt  }
0x63: {  	_ =	shalt  }
0x64: {  	_ =	shalt  }
0x65: {  	_ =	shalt  }
0x66: {  	_ =	shalt  }
0x67: {  	_ =	shalt  }
0x68: {  	_ =	shalt  }
0x69: {  	_ =	shalt  }
0x6a: {  	_ =	shalt  }
0x6b: {  	_ =	shalt  }
0x6c: {  	_ =	shalt  }
0x6d: {  	_ =	shalt  }
0x6e: {  	_ =	shalt  }
0x6f: {  	_ =	shalt  }
0x70: {  	_ =	shalt  }
0x71: {  	_ =	shalt  }
0x72: {  	_ =	shalt  }
0x73: {  	_ =	shalt  }
0x74: {  	_ =	shalt  }
0x75: {  	_ =	shalt  }
0x76: {  	_ =	shalt  }
0x77: {  	_ =	shalt  }
0x78: {  	_ =	shalt  }
0x79: {  	_ =	shalt  }
0x7a: {  	_ =	shalt  }
0x7b: {  	_ =	shalt  }
0x7c: {  	_ =	shalt  }
0x7d: {  	_ =	shalt  }
0x7e: {  	_ =	shalt  }
0x7f: {  	_ =	shalt  }
0x80: {  	_ =	shalt  }
0x81: {  	_ =	shalt  }
0x82: {  	_ =	shalt  }
0x83: {  	_ =	shalt  }
0x84: {  	_ =	shalt  }
0x85: {  	_ =	shalt  }
0x86: {  	_ =	shalt  }
0x87: {  	_ =	shalt  }
.Lfunc_end0:
.L_simem_size_0:
called_computation.2_lowered:
.L_overlay_start_0:
0x88: {  	s2 =	sld [smem:$0x3FD9]  }
0x89: {  	s3 =	sld [smem:$0x3FFE];
	_ =	sdelay $0x1  }
0x8a: {  	s1 =	srdreg.scid  }
0x8b: {  	s0 =	sand.u32 $0x1, s1  }
0x8c: {  	s14 =	sshll.u32 s0, $0xA;
	s2 =	sadd.s32 s3, s2  }
0x8d: {  	s2 =	sadd.s32 s2, s14  }
0x8e: {  	[smem:$0x3F95] =	sst s2  }
0x8f: {  	_ = 	snop  }
0x90: {  	s2 =	sld [smem:$0x3FD0];
	_ =	sdelay $0x2  }
0x91: {  	s15 =	simm.s32 $0xA;
	s4 =	simm.s32 $0x10  }
0x92: {  	[smem:s4], [sflag:s15] =	dma.local [hbm:s2], $0x1  }
0x93: {  	_ =	swait.eq [sflag:s15], $0x1  }
0x94: {  	[sflag:s15] =	ssyncset.done $0x0  }
0x95: {  	[sflag:s15] =	ssyncadd.s32 $0xFFFFFFFF  }
0x96: {  	s16 =	sld [smem:$0x11];
	(tm) =	ssettm $0x1  }
0x97: {  	s17 =	sld [smem:$0x3FFB];
	_ =	sdelay $0x3  }
0x98: {  	_ =	strace s17  }
0x99: {  	s3 =	sld [smem:$0x3FFC];
	_ =	sdelay $0x3  }
0x9a: {  	_ =	strace s3  }
0x9b: {  	s3 =	sld [smem:$0x3FFD];
	_ =	sdelay $0x3  }
0x9c: {  	_ =	strace s3  }
0x9d: {  	_ =	strace $0x8FFFFFFF  }
0x9e: {  	s18 =	sld [smem:$0x3FDB];
	_ =	sdelay $0x1  }
0x9f: {  	s19 =	simm.s32 $_scs_section_size  }
0xa0: {  	s5 =	simm.s32 $_size__tile_overlayer_lowered;
	s6 =	simm.s32 $_tile_overlayer_lowered  }
0xa1: {  	s22 =	simm.s32 $0x1BFF;
	s21 =	sshll.u32 s6, $0x1;
	s3 =	sadd.s32 s19, s18  }
0xa2: {  	s7 =	simm.s32 $0x0;
	s20 =	sshll.u32 s5, $0x1;
	s5 =	sadd.s32 s21, s3  }
0xa3: {  	[timem:s7], [sflag:s22] =	dma.local [hbm:s5], s20  }
0xa4: {  	_ =	swait.ge [sflag:s22], s20  }
0xa5: {  	s4 =	ssub.s32 $0x0, s20;
	[sflag:s22] =	ssyncset.done $0x0  }
0xa6: {  	[sflag:s22] =	ssyncadd.s32 s4;
	_ =	sdelay $0x1  }
0xa7: {  	s23 =	simm.s32 $0x1B8B  }
0xa8: {  	_ =	swait.ge [sflag:s23], $0x1  }
0xa9: {  	[sflag:s23] =	ssyncset.done $0x0  }
0xaa: {  	s25 =	simm.s32 $0x1B8E;
	s24 =	sld [smem:$0x3FFE];
	[sflag:s23] =	ssyncadd.s32 $0xFFFFFFFF  }
0xab: {  	s26 =	simm.s32 $execute0_lowered;
	[smem:$0x3FD2] =	sst s25  }
0xac: {  	s5 =	sshll.u32 s26, $0x1;
	_ =	strace $0x8000004C;
	[dreg:$0x1] =	wrdreg $0xFFFFFFFF  }
0xad: {  	s28 =	simm.s32 $_size_execute0_lowered;
	s3 =	sadd.s32 s3, s5;
	[dreg:$0x0] =	wrdreg $0x0  }
0xae: {  	s5 =	sshll.u32 s28, $0x1;
	[dreg:$0x2] =	wrdreg s3  }
0xaf: {  	[dreg:$0x3] =	wrdreg s5  }
0xb0: {  	[dreg:$0x4] =	wrdreg $0xC0  }
0xb1: {  	_ =	task [dreg:s7], $0x5FFFF  }
0xb2: {  	[dreg:$0x1] =	wrdreg $0xFFFFFFFF  }
0xb3: {  	[dreg:$0x0] =	wrdreg $0x60  }
0xb4: {  	[dreg:$0x2] =	wrdreg s16  }
0xb5: {  	[dreg:$0x3] =	wrdreg s24  }
0xb6: {  	[dreg:$0x4] =	wrdreg $0x9  }
0xb7: {  	_ =	task.clear_ibuf [dreg:s7], $0x5FFFF;
	_ =	strace $0x9000004C  }
0xb8: {  	s29 =	simm.s32 $0x9;
	_ =	strace $0x8000004E  }
0xb9: {  	_ =	swait.ge [sflag:s29], $0x1  }
0xba: {  	[sflag:s29] =	ssyncadd.s32 $0xFFFFFFFF  }
0xbb: {  	_ =	strace $0x9000004E  }
0xbc: {  	_ =	sfence  }
0xbd: {  	s30 =	sld [smem:$0x0];
	_ =	sdelay $0x2  }
0xbe: {  	s31 =	sshll.u32 s1, $0xD;
	s1 =	sshrl.u32 s1, $0x2  }
0xbf: {  	s3 =	sand.u32 $0x4000, s31;
	s1 =	sadd.s32 s1, s30  }
0xc0: {  	s0 =	sor.u32 s3, s0;
	s1 =	sshll.u32 s1, $0x11  }
0xc1: {  	s0 =	sor.u32 s1, s0  }
0xc2: {  	s0 =	sadd.s32 $0x8F2B, s0  }
0xc3: {  	[sflag:s0] =	ssyncadd.remote.s32 $0x1  }
0xc4: {  	_ =	sfence.sel $0xFFFF  }
0xc5: {  	[dreg:$0x0] =	wrdreg $0xFFFFFFFF;
	(pc) =	sbr.abs _section_cstart, $3  }
0xc6: {  	[dreg:$0x1] =	wrdreg $0xFFFFFFFF  }
0xc7: {  	_ =	task.clear_ibuf [dreg:s7], $0x2FFFF;
	_ =	strace $0x9FFFFFFF  }
0xc8: {  	(tm) =	ssettm $0x7FFFFFFF  }
0xc9: {  	_ =	shalt  }
tec
execute0_lowered:
.L_overlay_start_1:
0x0: {  	(tag) =	ssettag $0x1  }
0x1: {  	s2 =	rddreg [dreg:$0x0]  }
0x2: {  	s4 =	rddreg [dreg:$0x1]  }
0x3: {  	s0 =	rddreg [dreg:$0x2];
	s1 =	stileid.u32  }
0x4: {  	s5 =	srdreg.scid;
	s3 =	simm.s32 $0x0;
	s6 =	smul.u32 $0x6000, s1  }
0x5: {  	s10 =	simm.s32 $0x0;
	s5 =	sand.u32 $0x1, s5;
	s8 =	smul.u32 $0x60000, s1  }
0x6: {  	[smem:$0x7FF] =	sst s3;
	s7 =	smul.u32 $0x3000, s5;
	s9 =	ssub.s32 $0x2, s5  }
0x7: {  	_ =	strace $0x8000004D;
	s5 =	smul.u32 $0x30000, s5;
	s31 =	sshrl.u32 s9, $0x1  }
0x8: {  	s8 =	sadd.s32 s8, s4;
	s6 =	sadd.s32 s7, s6;
	s7 =	ssub.s32 s9, s31  }
0x9: {  	s5 =	sadd.s32 s5, s8;
	s8 =	simm.s32 $0x300;
	s6 =	sshrl.u32 s6, $0x3  }
0xa: {  	s9 =	simm.s32 $0x1;
	s5 =	sadd.s32 $0x17C00, s5;
	s6 =	sadd.s32 s6, s4  }
0xb: {  	s4 =	smax.u32 s7, $0x1;
	s7 =	simm.s32 $0x2;
	s6 =	sadd.s32 $0xB800, s6  }
.LBB2_1:
0xc: {  	s11 =	sadd.s32 $0x0, s6  }
0xd: {  	[tilespmem:s3], [sflag:$0x2] =	stream.linear.gather [hbm4b:s11+s3], $0x300, $0x38;
	[tilespmem:$0x18300] =	vst v63  }
0xe: {  	_ =	swait.ge [sflag:s7], $0x300  }
0xf: {  	[sflag:s7] =	ssyncset.done $0x0  }
0x10: {  	[sflag:s7] =	ssyncadd.s32 $0xFFFFFD00  }
0x11: {  	[tilespmem:s8], [sflag:$0x1] =	stream.indirect.gather [hbm4b:s2+s8], $0x80, s3, s8, $0xb8;
	[tilespmem:$0x18300] =	vst v63  }
0x12: {  	_ =	swait.ge [sflag:s9], $0x18000  }
0x13: {  	[sflag:s9] =	ssyncset.done $0x0  }
0x14: {  	[sflag:s9] =	ssyncadd.s32 $0xFFFE8000  }
0x15: {  	[hbm4b:s5+s3] =	stream.linear.scatter [tilespmem:s8], [sflag:$0x2], $0x18000, $0x38;
	[tilespmem:$0x18300] =	vst v63  }
0x16: {  	s12 =	simm.s32 $0x60;
	_ =	swait.ge [sflag:s7], $0x18000  }
0x17: {  	s13 =	simm.s32 $0xC0;
	s11 =	sadd.s32 $0x3000, s5;
	[sflag:s7] =	ssyncset.done $0x0  }
.LBB2_2:
0x18: {  	s14 =	sadd.s32 s12, s6  }
0x19: {  	[sflag:s7] =	ssyncadd.s32 $0xFFFE8000;
	s12 =	smov.u32 s13;
	s15 =	sadd.s32 $0x60, s13  }
0x1a: {  	[tilespmem:s3], [sflag:$0x2] =	stream.linear.gather [hbm4b:s14+s3], $0x300, $0x38;
	[tilespmem:$0x18300] =	vst v63  }
0x1b: {  	p0 =	sne.s32 s13, $0x5A0;
	_ =	swait.ge [sflag:s7], $0x300  }
0x1c: {  	[sflag:s7] =	ssyncset.done $0x0  }
0x1d: {  	[sflag:s7] =	ssyncadd.s32 $0xFFFFFD00  }
0x1e: {  	[tilespmem:s8], [sflag:$0x1] =	stream.indirect.gather [hbm4b:s2+s8], $0x80, s3, s8, $0xb8;
	[tilespmem:$0x18300] =	vst v63  }
0x1f: {  	_ =	swait.ge [sflag:s9], $0x18000  }
.Ltmp0:
0x20: {  	[sflag:s9] =	ssyncset.done $0x0;
	(pc) =	sbr.rel @p0 .LBB2_2-.Ltmp0, $4  }
0x21: {  	[sflag:s9] =	ssyncadd.s32 $0xFFFE8000  }
0x22: {  	[hbm4b:s11+s3] =	stream.linear.scatter [tilespmem:s8], [sflag:$0x2], $0x18000, $0x38;
	[tilespmem:$0x18300] =	vst v63  }
0x23: {  	_ =	swait.ge [sflag:s7], $0x18000  }
0x24: {  	s13 =	smov.u32 s15;
	s11 =	sadd.s32 $0x3000, s11;
	[sflag:s7] =	ssyncset.done $0x0  }
0x25: {  	s12 =	sadd.s32 s12, s6;
	[sflag:s7] =	ssyncadd.s32 $0xFFFE8000  }
0x26: {  	[tilespmem:s3], [sflag:$0x2] =	stream.linear.gather [hbm4b:s12+s3], $0x300, $0x38;
	[tilespmem:$0x18300] =	vst v63  }
0x27: {  	_ =	swait.ge [sflag:s7], $0x300  }
0x28: {  	[sflag:s7] =	ssyncset.done $0x0  }
0x29: {  	[sflag:s7] =	ssyncadd.s32 $0xFFFFFD00  }
0x2a: {  	[tilespmem:s8], [sflag:$0x1] =	stream.indirect.gather [hbm4b:s2+s8], $0x80, s3, s8, $0xb8;
	[tilespmem:$0x18300] =	vst v63  }
0x2b: {  	s10 =	sadd.s32 $0x1, s10;
	_ =	swait.ge [sflag:s9], $0x18000  }
0x2c: {  	p0 =	sne.s32 s10, s4;
	[sflag:s9] =	ssyncset.done $0x0  }
.Ltmp1:
0x2d: {  	[sflag:s9] =	ssyncadd.s32 $0xFFFE8000;
	(pc) =	sbr.rel @p0 .LBB2_1-.Ltmp1, $4  }
0x2e: {  	[hbm4b:s11+s3] =	stream.linear.scatter [tilespmem:s8], [sflag:$0x2], $0x18000, $0x38;
	[tilespmem:$0x18300] =	vst v63  }
0x2f: {  	_ =	swait.ge [sflag:s7], $0x18000  }
0x30: {  	[sflag:s7] =	ssyncset.done $0x0  }
0x31: {  	[sflag:s7] =	ssyncadd.s32 $0xFFFE8000  }
0x32: {  	_ =	sfence.sel $0x180000  }
0x33: {  	[bflag:$0x0] =	sbarrier.arrive $0xFFFF  }
0x34: {  	p0 =	sne.s32 s1, $0x0;
	_ =	strace $0x9000004D  }
0x35: {  	s0 =	sadd.s32 @!p0 $0x100000, s0;
	[bflag:$0x2] =	sbarrier.arrive $0xFFFF  }
0x36: {  	[sflag:s0] =	ssyncadd.tile.s32 @!p0 $0x1;
	_ =	shalt  }
.Lfunc_end2:
_tile_overlayer_lowered:
.L_overlay_start_2:
0x37: {  	(tag) =	ssettag $0x2  }
0x38: {  	s0 =	rddreg [dreg:$0x0];
	s2 =	stileid.u32  }
0x39: {  	s1 =	rddreg [dreg:$0x1];
	p0 =	sne.s32 s2, $0x0  }
0x3a: {  	s3 =	rddreg [dreg:$0x2];
	[bflag:$0x3] =	sbarrier.arrive $0xFFFF;
	s2 =	simm.s32 @!p0 $0x1C02  }
0x3b: {  	[timem:s3], [sflag:s2] =	dma.local @!p0 [hbm:s0], s1  }
0x3c: {  	s0 =	simm.s32 @!p0 $0x2  }
0x3d: {  	_ =	swait.ge @!p0 [sflag:s0], s1  }
0x3e: {  	s1 =	ssub.s32 @!p0 $0x0, s1;
	[sflag:s0] =	ssyncset.done @!p0 $0x0  }
0x3f: {  	[sflag:s0] =	ssyncadd.s32 @!p0 s1  }
0x40: {  	[bflag:$0x3] =	sbarrier.arrive $0xFFFF  }
0x41: {  	_ =	shalt  }

// kernel: kernel.21.cloned.1.call-start
scs
__scs_entry_jumppad:
0x0: {  	(pc) =	sbr.rel $0x88, $3  }
0x1: {  	(tag) =	ssettag $0x0;
	lr =	simm.s32 $0x1  }
0x2: {  	[smem:$0x3F6E] =	sst lr;
	_ =	strace $0xD0000000  }
0x3: {  	_ = 	snop  }
0x4: {  	_ = 	snop  }
0x5: {  	_ = 	snop  }
0x6: {  	_ = 	snop  }
0x7: {  	_ = 	snop  }
__scs_overlays_trampoline_lowered:
0x8: {  	[smem:$0x3F7D] =	sst s0  }
0x9: {  	[smem:$0x3F7E] =	sst s1  }
0xa: {  	[smem:$0x3F7F] =	sst s2  }
0xb: {  	[smem:$0x3F80] =	sst s3  }
0xc: {  	[smem:$0x3F81] =	sst s4  }
0xd: {  	[smem:$0x3F82] =	sst s5  }
0xe: {  	[smem:$0x3F83] =	sst s6  }
0xf: {  	[smem:$0x3F84] =	sst s7  }
0x10: {  	[smem:$0x3F85] =	sst s8  }
0x11: {  	[smem:$0x3F86] =	sst s9;
	s0 =	simm.s32 @!p0 $0x0  }
0x12: {  	s1 =	sld [smem:$0x3F6C];
	s0 =	simm.s32 @p0 $0x1  }
0x13: {  	[smem:$0x3F87] =	sst s0;
	s0 =	simm.s32 @!p1 $0x0  }
0x14: {  	s2 =	sld [smem:$0x3F6B];
	s0 =	simm.s32 @p1 $0x1  }
0x15: {  	[smem:$0x3F88] =	sst s0;
	s0 =	simm.s32 @!p2 $0x0  }
0x16: {  	s3 =	sld [smem:$0x3FDB];
	s0 =	simm.s32 @p2 $0x1  }
0x17: {  	s4 =	simm.s32 $0x1BF5;
	[smem:$0x3F8A] =	sst s0  }
0x18: {  	s0 =	sld [smem:$0x3F6D];
	_ =	swait.ge [sflag:s4], $0x0  }
0x19: {  	s7 =	sld [smem:$0x3F6E]  }
0x1a: {  	s8 =	sadd.s32 $0xFFFFE003, lr  }
0x1b: {  	s9 =	sadd.s32 $0xFFFFFEF7, lr;
	s5 =	simm.s32 $0xFFFFFFFF;
	p2 =	slt.u32 s8, $0xFFFFF086  }
0x1c: {  	p1 =	slt.u32 s9, $0xF7A;
	s5 =	simm.s32 @!p2 $0x0  }
0x1d: {  	s5 =	simm.s32 @p1 $0x1;
	p0 =	seq.s32 s7, s2  }
0x1e: {  	s7 =	smul.u32 @!p0 $0xF7A, s2;
	p2 =	seq.s32 @!p0 s5, $0x0  }
0x1f: {  	s9 =	smul.u32 $0xF7A, s1;
	s8 =	simm.s32 @!p0 $0x1BF5;
	p2 =	por !p2, p0  }
0x20: {  	[sflag:s8] =	ssyncset.s32 @!p0 $0xFFFFF086;
	s6 =	sadd.s32 @!p0 s3, s7;
	s7 =	simm.s32 @!p0 $0x108  }
0x21: {  	s3 =	sadd.s32 s3, s9;
	s6 =	sadd.s32 @!p0 $0x88, s6;
	s7 =	simm.s32 @p2 $0x1082  }
0x22: {  	[simem:s7], [sflag:s8] =	dma.local @!p0 [hbm:s6], $0xF7A  }
0x23: {  	s9 =	sor.u32 $0xD0000000, s2;
	s6 =	simm.s32 $0x108;
	_ =	swait.ge @!p0 [sflag:s8], $0x0  }
0x24: {  	s3 =	sadd.s32 $0x88, s3;
	s6 =	simm.s32 @!p1 $0x1082;
	[sflag:s4] =	ssyncset.s32 $0xFFFFF086  }
0x25: {  	[simem:s6], [sflag:s4] =	dma.local [hbm:s3], $0xF7A  }
0x26: {  	[smem:$0x3F6E] =	sst s1;
	(tag) =	ssettag s2;
	_ =	strace s9  }
0x27: {  	s1 =	sld [smem:$0x3F7E]  }
0x28: {  	s2 =	sld [smem:$0x3F7F]  }
0x29: {  	s4 =	sld [smem:$0x3F81]  }
0x2a: {  	p0 =	seq.s32 s5, $0x0;
	s5 =	sld [smem:$0x3F82]  }
0x2b: {  	s6 =	sld [smem:$0x3F83]  }
0x2c: {  	s7 =	sld [smem:$0x3F84]  }
0x2d: {  	s3 =	simm.s32 $0x108;
	s8 =	sld [smem:$0x3F85]  }
0x2e: {  	s3 =	simm.s32 @!p0 $0x1082;
	s9 =	sld [smem:$0x3F86]  }
0x2f: {  	lr =	sadd.s32 s0, s3;
	s0 =	sld [smem:$0x3F7D]  }
0x30: {  	s3 =	sld [smem:$0x3F80]  }
0x31: {  	[smem:$0x3F89] =	sst s10  }
0x32: {  	s10 =	sld [smem:$0x3F87];
	_ =	sdelay $0x3  }
0x33: {  	p0 =	seq.s32 s10, $0x1;
	s10 =	sld [smem:$0x3F89];
	_ =	sdelay $0x3  }
0x34: {  	[smem:$0x3F89] =	sst s10  }
0x35: {  	s10 =	sld [smem:$0x3F88];
	_ =	sdelay $0x3  }
0x36: {  	p1 =	seq.s32 s10, $0x1;
	s10 =	sld [smem:$0x3F89];
	_ =	sdelay $0x3  }
0x37: {  	[smem:$0x3F89] =	sst s10  }
0x38: {  	s10 =	sld [smem:$0x3F8A]  }
0x39: {  	_ = 	snop;
	(pc) =	sbr.ind lr, $3  }
0x3a: {  	_ = 	snop  }
0x3b: {  	_ = 	snop  }
0x3c: {  	p2 =	seq.s32 s10, $0x1;
	s10 =	sld [smem:$0x3F89]  }
0x3d: {  	_ =	shalt  }
0x3e: {  	_ =	shalt  }
0x3f: {  	_ =	shalt  }
0x40: {  	_ =	shalt  }
0x41: {  	_ =	shalt  }
0x42: {  	_ =	shalt  }
0x43: {  	_ =	shalt  }
0x44: {  	_ =	shalt  }
0x45: {  	_ =	shalt  }
0x46: {  	_ =	shalt  }
0x47: {  	_ =	shalt  }
0x48: {  	_ =	shalt  }
0x49: {  	_ =	shalt  }
0x4a: {  	_ =	shalt  }
0x4b: {  	_ =	shalt  }
0x4c: {  	_ =	shalt  }
0x4d: {  	_ =	shalt  }
0x4e: {  	_ =	shalt  }
0x4f: {  	_ =	shalt  }
0x50: {  	_ =	shalt  }
0x51: {  	_ =	shalt  }
0x52: {  	_ =	shalt  }
0x53: {  	_ =	shalt  }
0x54: {  	_ =	shalt  }
0x55: {  	_ =	shalt  }
0x56: {  	_ =	shalt  }
0x57: {  	_ =	shalt  }
0x58: {  	_ =	shalt  }
0x59: {  	_ =	shalt  }
0x5a: {  	_ =	shalt  }
0x5b: {  	_ =	shalt  }
0x5c: {  	_ =	shalt  }
0x5d: {  	_ =	shalt  }
0x5e: {  	_ =	shalt  }
0x5f: {  	_ =	shalt  }
0x60: {  	_ =	shalt  }
0x61: {  	_ =	shalt  }
0x62: {  	_ =	shalt  }
0x63: {  	_ =	shalt  }
0x64: {  	_ =	shalt  }
0x65: {  	_ =	shalt  }
0x66: {  	_ =	shalt  }
0x67: {  	_ =	shalt  }
0x68: {  	_ =	shalt  }
0x69: {  	_ =	shalt  }
0x6a: {  	_ =	shalt  }
0x6b: {  	_ =	shalt  }
0x6c: {  	_ =	shalt  }
0x6d: {  	_ =	shalt  }
0x6e: {  	_ =	shalt  }
0x6f: {  	_ =	shalt  }
0x70: {  	_ =	shalt  }
0x71: {  	_ =	shalt  }
0x72: {  	_ =	shalt  }
0x73: {  	_ =	shalt  }
0x74: {  	_ =	shalt  }
0x75: {  	_ =	shalt  }
0x76: {  	_ =	shalt  }
0x77: {  	_ =	shalt  }
0x78: {  	_ =	shalt  }
0x79: {  	_ =	shalt  }
0x7a: {  	_ =	shalt  }
0x7b: {  	_ =	shalt  }
0x7c: {  	_ =	shalt  }
0x7d: {  	_ =	shalt  }
0x7e: {  	_ =	shalt  }
0x7f: {  	_ =	shalt  }
0x80: {  	_ =	shalt  }
0x81: {  	_ =	shalt  }
0x82: {  	_ =	shalt  }
0x83: {  	_ =	shalt  }
0x84: {  	_ =	shalt  }
0x85: {  	_ =	shalt  }
0x86: {  	_ =	shalt  }
0x87: {  	_ =	shalt  }
.Lfunc_end0:
.L_simem_size_0:
called_computation.3_lowered:
.L_overlay_start_0:
0x88: {  	s2 =	sld [smem:$0x3FD9]  }
0x89: {  	s3 =	sld [smem:$0x3FFE];
	_ =	sdelay $0x1  }
0x8a: {  	s1 =	srdreg.scid  }
0x8b: {  	s0 =	sand.u32 $0x1, s1  }
0x8c: {  	s14 =	sshll.u32 s0, $0xA;
	s2 =	sadd.s32 s3, s2  }
0x8d: {  	s2 =	sadd.s32 s2, s14  }
0x8e: {  	[smem:$0x3F95] =	sst s2  }
0x8f: {  	_ = 	snop  }
0x90: {  	s2 =	sld [smem:$0x3FD0];
	_ =	sdelay $0x2  }
0x91: {  	s15 =	simm.s32 $0xA;
	s4 =	simm.s32 $0x10  }
0x92: {  	[smem:s4], [sflag:s15] =	dma.local [hbm:s2], $0x1  }
0x93: {  	_ =	swait.eq [sflag:s15], $0x1  }
0x94: {  	[sflag:s15] =	ssyncset.done $0x0  }
0x95: {  	[sflag:s15] =	ssyncadd.s32 $0xFFFFFFFF  }
0x96: {  	s16 =	sld [smem:$0x12];
	(tm) =	ssettm $0x1  }
0x97: {  	s17 =	sld [smem:$0x3FFB];
	_ =	sdelay $0x3  }
0x98: {  	_ =	strace s17  }
0x99: {  	s3 =	sld [smem:$0x3FFC];
	_ =	sdelay $0x3  }
0x9a: {  	_ =	strace s3  }
0x9b: {  	s3 =	sld [smem:$0x3FFD];
	_ =	sdelay $0x3  }
0x9c: {  	_ =	strace s3  }
0x9d: {  	_ =	strace $0x8FFFFFFF  }
0x9e: {  	s18 =	sld [smem:$0x3FDB];
	_ =	sdelay $0x1  }
0x9f: {  	s19 =	simm.s32 $_scs_section_size  }
0xa0: {  	s5 =	simm.s32 $_size__tile_overlayer_lowered;
	s6 =	simm.s32 $_tile_overlayer_lowered  }
0xa1: {  	s22 =	simm.s32 $0x1BFF;
	s21 =	sshll.u32 s6, $0x1;
	s3 =	sadd.s32 s19, s18  }
0xa2: {  	s7 =	simm.s32 $0x0;
	s20 =	sshll.u32 s5, $0x1;
	s5 =	sadd.s32 s21, s3  }
0xa3: {  	[timem:s7], [sflag:s22] =	dma.local [hbm:s5], s20  }
0xa4: {  	_ =	swait.ge [sflag:s22], s20  }
0xa5: {  	s4 =	ssub.s32 $0x0, s20;
	[sflag:s22] =	ssyncset.done $0x0  }
0xa6: {  	[sflag:s22] =	ssyncadd.s32 s4;
	_ =	sdelay $0x1  }
0xa7: {  	s23 =	simm.s32 $0x1B8B  }
0xa8: {  	_ =	swait.ge [sflag:s23], $0x1  }
0xa9: {  	[sflag:s23] =	ssyncset.done $0x0  }
0xaa: {  	s25 =	simm.s32 $0x1B8E;
	s24 =	sld [smem:$0x3FFE];
	[sflag:s23] =	ssyncadd.s32 $0xFFFFFFFF  }
0xab: {  	s26 =	simm.s32 $execute0_lowered;
	[smem:$0x3FD2] =	sst s25  }
0xac: {  	s5 =	sshll.u32 s26, $0x1;
	_ =	strace $0x8000004F;
	[dreg:$0x1] =	wrdreg $0xFFFFFFFF  }
0xad: {  	s28 =	simm.s32 $_size_execute0_lowered;
	s3 =	sadd.s32 s3, s5;
	[dreg:$0x0] =	wrdreg $0x0  }
0xae: {  	s5 =	sshll.u32 s28, $0x1;
	[dreg:$0x2] =	wrdreg s3  }
0xaf: {  	[dreg:$0x3] =	wrdreg s5  }
0xb0: {  	[dreg:$0x4] =	wrdreg $0xC0  }
0xb1: {  	_ =	task [dreg:s7], $0x5FFFF  }
0xb2: {  	[dreg:$0x1] =	wrdreg $0xFFFFFFFF  }
0xb3: {  	[dreg:$0x0] =	wrdreg $0x60  }
0xb4: {  	[dreg:$0x2] =	wrdreg s16  }
0xb5: {  	[dreg:$0x3] =	wrdreg s24  }
0xb6: {  	[dreg:$0x4] =	wrdreg $0x9  }
0xb7: {  	_ =	task.clear_ibuf [dreg:s7], $0x5FFFF;
	_ =	strace $0x9000004F  }
0xb8: {  	s29 =	simm.s32 $0x9;
	_ =	strace $0x80000051  }
0xb9: {  	_ =	swait.ge [sflag:s29], $0x1  }
0xba: {  	[sflag:s29] =	ssyncadd.s32 $0xFFFFFFFF  }
0xbb: {  	_ =	strace $0x90000051  }
0xbc: {  	_ =	sfence  }
0xbd: {  	s30 =	sld [smem:$0x0];
	_ =	sdelay $0x2  }
0xbe: {  	s31 =	sshll.u32 s1, $0xD;
	s1 =	sshrl.u32 s1, $0x2  }
0xbf: {  	s3 =	sand.u32 $0x4000, s31;
	s1 =	sadd.s32 s1, s30  }
0xc0: {  	s0 =	sor.u32 s3, s0;
	s1 =	sshll.u32 s1, $0x11  }
0xc1: {  	s0 =	sor.u32 s1, s0  }
0xc2: {  	s0 =	sadd.s32 $0x8F2B, s0  }
0xc3: {  	[sflag:s0] =	ssyncadd.remote.s32 $0x1  }
0xc4: {  	_ =	sfence.sel $0xFFFF  }
0xc5: {  	[dreg:$0x0] =	wrdreg $0xFFFFFFFF;
	(pc) =	sbr.abs _section_cstart, $3  }
0xc6: {  	[dreg:$0x1] =	wrdreg $0xFFFFFFFF  }
0xc7: {  	_ =	task.clear_ibuf [dreg:s7], $0x2FFFF;
	_ =	strace $0x9FFFFFFF  }
0xc8: {  	(tm) =	ssettm $0x7FFFFFFF  }
0xc9: {  	_ =	shalt  }
tec
execute0_lowered:
.L_overlay_start_1:
0x0: {  	(tag) =	ssettag $0x1  }
0x1: {  	s2 =	rddreg [dreg:$0x0]  }
0x2: {  	s4 =	rddreg [dreg:$0x1]  }
0x3: {  	s0 =	rddreg [dreg:$0x2];
	s1 =	stileid.u32  }
0x4: {  	s5 =	srdreg.scid;
	s3 =	simm.s32 $0x0;
	s6 =	smul.u32 $0x6000, s1  }
0x5: {  	s10 =	simm.s32 $0x0;
	s5 =	sand.u32 $0x1, s5;
	s8 =	smul.u32 $0x60000, s1  }
0x6: {  	[smem:$0x7FF] =	sst s3;
	s7 =	smul.u32 $0x3000, s5;
	s9 =	ssub.s32 $0x2, s5  }
0x7: {  	_ =	strace $0x80000050;
	s5 =	smul.u32 $0x30000, s5;
	s31 =	sshrl.u32 s9, $0x1  }
0x8: {  	s8 =	sadd.s32 s8, s4;
	s6 =	sadd.s32 s7, s6;
	s7 =	ssub.s32 s9, s31  }
0x9: {  	s5 =	sadd.s32 s5, s8;
	s8 =	simm.s32 $0x300;
	s6 =	sshrl.u32 s6, $0x3  }
0xa: {  	s9 =	simm.s32 $0x1;
	s5 =	sadd.s32 $0x17E00, s5;
	s6 =	sadd.s32 s6, s4  }
0xb: {  	s4 =	smax.u32 s7, $0x1;
	s7 =	simm.s32 $0x2;
	s6 =	sadd.s32 $0xB800, s6  }
.LBB2_1:
0xc: {  	s11 =	sadd.s32 $0x0, s6  }
0xd: {  	[tilespmem:s3], [sflag:$0x2] =	stream.linear.gather [hbm4b:s11+s3], $0x300, $0x38;
	[tilespmem:$0x18300] =	vst v63  }
0xe: {  	_ =	swait.ge [sflag:s7], $0x300  }
0xf: {  	[sflag:s7] =	ssyncset.done $0x0  }
0x10: {  	[sflag:s7] =	ssyncadd.s32 $0xFFFFFD00  }
0x11: {  	[tilespmem:s8], [sflag:$0x1] =	stream.indirect.gather [hbm4b:s2+s8], $0x80, s3, s8, $0xb8;
	[tilespmem:$0x18300] =	vst v63  }
0x12: {  	_ =	swait.ge [sflag:s9], $0x18000  }
0x13: {  	[sflag:s9] =	ssyncset.done $0x0  }
0x14: {  	[sflag:s9] =	ssyncadd.s32 $0xFFFE8000  }
0x15: {  	[hbm4b:s5+s3] =	stream.linear.scatter [tilespmem:s8], [sflag:$0x2], $0x18000, $0x38;
	[tilespmem:$0x18300] =	vst v63  }
0x16: {  	s12 =	simm.s32 $0x60;
	_ =	swait.ge [sflag:s7], $0x18000  }
0x17: {  	s13 =	simm.s32 $0xC0;
	s11 =	sadd.s32 $0x3000, s5;
	[sflag:s7] =	ssyncset.done $0x0  }
.LBB2_2:
0x18: {  	s14 =	sadd.s32 s12, s6  }
0x19: {  	[sflag:s7] =	ssyncadd.s32 $0xFFFE8000;
	s12 =	smov.u32 s13;
	s15 =	sadd.s32 $0x60, s13  }
0x1a: {  	[tilespmem:s3], [sflag:$0x2] =	stream.linear.gather [hbm4b:s14+s3], $0x300, $0x38;
	[tilespmem:$0x18300] =	vst v63  }
0x1b: {  	p0 =	sne.s32 s13, $0x5A0;
	_ =	swait.ge [sflag:s7], $0x300  }
0x1c: {  	[sflag:s7] =	ssyncset.done $0x0  }
0x1d: {  	[sflag:s7] =	ssyncadd.s32 $0xFFFFFD00  }
0x1e: {  	[tilespmem:s8], [sflag:$0x1] =	stream.indirect.gather [hbm4b:s2+s8], $0x80, s3, s8, $0xb8;
	[tilespmem:$0x18300] =	vst v63  }
0x1f: {  	_ =	swait.ge [sflag:s9], $0x18000  }
.Ltmp0:
0x20: {  	[sflag:s9] =	ssyncset.done $0x0;
	(pc) =	sbr.rel @p0 .LBB2_2-.Ltmp0, $4  }
0x21: {  	[sflag:s9] =	ssyncadd.s32 $0xFFFE8000  }
0x22: {  	[hbm4b:s11+s3] =	stream.linear.scatter [tilespmem:s8], [sflag:$0x2], $0x18000, $0x38;
	[tilespmem:$0x18300] =	vst v63  }
0x23: {  	_ =	swait.ge [sflag:s7], $0x18000  }
0x24: {  	s13 =	smov.u32 s15;
	s11 =	sadd.s32 $0x3000, s11;
	[sflag:s7] =	ssyncset.done $0x0  }
0x25: {  	s12 =	sadd.s32 s12, s6;
	[sflag:s7] =	ssyncadd.s32 $0xFFFE8000  }
0x26: {  	[tilespmem:s3], [sflag:$0x2] =	stream.linear.gather [hbm4b:s12+s3], $0x300, $0x38;
	[tilespmem:$0x18300] =	vst v63  }
0x27: {  	_ =	swait.ge [sflag:s7], $0x300  }
0x28: {  	[sflag:s7] =	ssyncset.done $0x0  }
0x29: {  	[sflag:s7] =	ssyncadd.s32 $0xFFFFFD00  }
0x2a: {  	[tilespmem:s8], [sflag:$0x1] =	stream.indirect.gather [hbm4b:s2+s8], $0x80, s3, s8, $0xb8;
	[tilespmem:$0x18300] =	vst v63  }
0x2b: {  	s10 =	sadd.s32 $0x1, s10;
	_ =	swait.ge [sflag:s9], $0x18000  }
0x2c: {  	p0 =	sne.s32 s10, s4;
	[sflag:s9] =	ssyncset.done $0x0  }
.Ltmp1:
0x2d: {  	[sflag:s9] =	ssyncadd.s32 $0xFFFE8000;
	(pc) =	sbr.rel @p0 .LBB2_1-.Ltmp1, $4  }
0x2e: {  	[hbm4b:s11+s3] =	stream.linear.scatter [tilespmem:s8], [sflag:$0x2], $0x18000, $0x38;
	[tilespmem:$0x18300] =	vst v63  }
0x2f: {  	_ =	swait.ge [sflag:s7], $0x18000  }
0x30: {  	[sflag:s7] =	ssyncset.done $0x0  }
0x31: {  	[sflag:s7] =	ssyncadd.s32 $0xFFFE8000  }
0x32: {  	_ =	sfence.sel $0x180000  }
0x33: {  	[bflag:$0x0] =	sbarrier.arrive $0xFFFF  }
0x34: {  	p0 =	sne.s32 s1, $0x0;
	_ =	strace $0x90000050  }
0x35: {  	s0 =	sadd.s32 @!p0 $0x100000, s0;
	[bflag:$0x2] =	sbarrier.arrive $0xFFFF  }
0x36: {  	[sflag:s0] =	ssyncadd.tile.s32 @!p0 $0x1;
	_ =	shalt  }
.Lfunc_end2:
_tile_overlayer_lowered:
.L_overlay_start_2:
0x37: {  	(tag) =	ssettag $0x2  }
0x38: {  	s0 =	rddreg [dreg:$0x0];
	s2 =	stileid.u32  }
0x39: {  	s1 =	rddreg [dreg:$0x1];
	p0 =	sne.s32 s2, $0x0  }
0x3a: {  	s3 =	rddreg [dreg:$0x2];
	[bflag:$0x3] =	sbarrier.arrive $0xFFFF;
	s2 =	simm.s32 @!p0 $0x1C02  }
0x3b: {  	[timem:s3], [sflag:s2] =	dma.local @!p0 [hbm:s0], s1  }
0x3c: {  	s0 =	simm.s32 @!p0 $0x2  }
0x3d: {  	_ =	swait.ge @!p0 [sflag:s0], s1  }
0x3e: {  	s1 =	ssub.s32 @!p0 $0x0, s1;
	[sflag:s0] =	ssyncset.done @!p0 $0x0  }
0x3f: {  	[sflag:s0] =	ssyncadd.s32 @!p0 s1  }
0x40: {  	[bflag:$0x3] =	sbarrier.arrive $0xFFFF  }
0x41: {  	_ =	shalt  }

</sc_bundles>
